<compile_context>
chip_gen: v7x
topology: tpu7x:2x2x1
jax: 0.10.2.dev20260603
libtpu: 0.0.44.dev20260713+nightly
codegen_flags: <defaults>
</compile_context>

<pallas_src>
import functools
import math

import jax
import jax.numpy as jnp
from jax import lax
from jax.experimental import pallas as pl
from jax.experimental.pallas import tpu as pltpu
from jax.experimental.pallas import tpu_sc as plsc

SEQ = 50
BATCH = 16384
EMB = 64
VOCAB = 1000000
SCALE = math.sqrt(EMB)

NC = 2
NS = 16
NW = NC * NS

B_PER_W = BATCH // NW
CHUNK = 128
NCHUNK = B_PER_W // CHUNK

TBLK = 16384
TGRID = -(-VOCAB // TBLK)


def _relayout_body(tt_ref, eye_ref, l_ref):
    x = tt_ref[...]
    y = lax.dot_general(x, eye_ref[...],
                        (((0,), (0,)), ((), ())),
                        preferred_element_type=jnp.float32)
    l_ref[:, 0:EMB] = y


_relayout = pl.pallas_call(
    _relayout_body,
    grid=(TGRID,),
    in_specs=[
        pl.BlockSpec((EMB, TBLK), lambda i: (0, i)),
        pl.BlockSpec((EMB, EMB), lambda i: (0, 0)),
    ],
    out_specs=pl.BlockSpec((TBLK, 128), lambda i: (i, 0)),
    out_shape=jax.ShapeDtypeStruct((VOCAB, 128), jnp.float32),
)

_mesh = plsc.VectorSubcoreMesh(core_axis_name="c", subcore_axis_name="s")


@functools.partial(
    pl.kernel,
    out_type=jax.ShapeDtypeStruct((SEQ, BATCH, 128), jnp.float32),
    mesh=_mesh,
    compiler_params=pltpu.CompilerParams(use_tc_tiling_on_sc=False),
    scratch_types=(
        [pltpu.VMEM((SEQ, B_PER_W), jnp.int32)]
        + [pltpu.VMEM((CHUNK, 128), jnp.float32) for _ in range(NCHUNK)]
        + [pltpu.VMEM((SEQ, EMB), jnp.float32)]
        + [pltpu.SemaphoreType.DMA]
        + [pltpu.SemaphoreType.DMA for _ in range(NCHUNK)]
        + [pltpu.SemaphoreType.DMA for _ in range(NCHUNK)]
    ),
)
def _emb_kernel(data_hbm, table_hbm, pos_hbm, out_hbm,
                idx_all, r0, r1, r2, r3, pos_v,
                idx_sem, gs0, gs1, gs2, gs3, os0, os1, os2, os3):
    rbuf = [r0, r1, r2, r3]
    gsem = [gs0, gs1, gs2, gs3]
    osem = [os0, os1, os2, os3]

    wid = lax.axis_index("s") * NC + lax.axis_index("c")
    col0 = wid * B_PER_W

    idx_cp = pltpu.make_async_copy(
        data_hbm.at[:, pl.ds(col0, B_PER_W)], idx_all, idx_sem)
    idx_cp.start()
    pltpu.sync_copy(pos_hbm, pos_v)
    idx_cp.wait()

    def prefill(b, o):
        pv = [pos_v[o, pl.ds(16 * j, 16)] for j in range(4)]

        def row_body(r, carry):
            for j in range(4):
                rbuf[b][r, pl.ds(16 * j, 16)] = pv[j]
            return carry

        lax.fori_loop(0, CHUNK, row_body, 0, unroll=4)

    def fire_gather(b, o):
        pltpu.async_copy(
            table_hbm.at[idx_all.at[o, pl.ds(CHUNK * b, CHUNK)]],
            rbuf[b], gsem[b], add=True)

    for b in range(NCHUNK):
        prefill(b, 0)
        fire_gather(b, 0)

    def outer(o, carry):
        for b in range(NCHUNK):
            pltpu.make_async_copy(
                table_hbm.at[idx_all.at[o, pl.ds(CHUNK * b, CHUNK)]],
                rbuf[b], gsem[b]).wait()

            out_cp = pltpu.make_async_copy(
                rbuf[b],
                out_hbm.at[o, pl.ds(col0 + CHUNK * b, CHUNK), :],
                osem[b])
            out_cp.start()

            @pl.when(o < SEQ - 1)
            def _(o=o, b=b, out_cp=out_cp):
                out_cp.wait()
                prefill(b, o + 1)
                fire_gather(b, o + 1)
        return carry

    lax.fori_loop(0, SEQ, outer, 0)

    for b in range(NCHUNK):
        pltpu.make_async_copy(
            rbuf[b], out_hbm.at[0, pl.ds(0, CHUNK), :], osem[b]).wait()


def _to_tiles_body(i_ref, o_ref):
    y = i_ref[0, :, 0:EMB]
    z = jnp.swapaxes(y, 0, 1)
    z = z.reshape(8, 8, 64, 128)
    o_ref[0] = z.transpose(0, 2, 1, 3)


_to_tiles = pl.pallas_call(
    _to_tiles_body,
    grid=(SEQ, 2),
    in_specs=[pl.BlockSpec((1, 8192, 128), lambda s, j: (s, j, 0))],
    out_specs=pl.BlockSpec((1, 8, 64, 8, 128), lambda s, j: (s, 0, j, 0, 0)),
    out_shape=jax.ShapeDtypeStruct((SEQ, 8, BATCH // 128, 8, 128),
                                   jnp.float32),
)


def kernel(data, token_table, position_table):
    eye = jnp.eye(EMB, dtype=jnp.float32) * SCALE
    scaled = _relayout(token_table.T, eye)
    ipad = _emb_kernel(data.astype(jnp.int32), scaled, position_table)
    out5d = _to_tiles(ipad)
    return out5d.transpose(0, 2, 4, 1, 3).reshape(SEQ, BATCH, EMB)

# --- scband reference (transcript-rebuilt; emitter-appended) ---
"""Pipeline reference for scband-embeddings-29867202576952 (READ-ONLY COPY).

The authoritative reference and input builder live on the scoring server;
editing this copy changes nothing except your own understanding.
"""

import math
import jax, jax.numpy as jnp
import numpy as np

VOCAB_SIZE = 1000000
EMBEDDING_SIZE = 64
MAX_POSITION = 50
SEQ_LEN = 50
BATCH = 16384


def setup_inputs(seed: int = 0) -> dict:
    key = jax.random.key(seed)
    k1, k2, k3 = jax.random.split(key, 3)
    data = jax.random.randint(k1, (SEQ_LEN, BATCH), 0, VOCAB_SIZE, dtype=jnp.int64 if jax.config.jax_enable_x64 else jnp.int32)
    token_table = jax.random.normal(k2, (VOCAB_SIZE, EMBEDDING_SIZE), dtype=jnp.float32)
    position_table = jax.random.normal(k3, (MAX_POSITION, EMBEDDING_SIZE), dtype=jnp.float32)
    return {"data": data, "token_table": token_table, "position_table": position_table}


def reference(data, token_table, position_table):
    seq_length, batch_size = data.shape
    # token embedding lookup, scaled by sqrt(embedding_size)
    tokens = jnp.take(token_table, data, axis=0) * math.sqrt(EMBEDDING_SIZE)
    # position embedding lookup for positions [0, seq_length)
    positions = jnp.take(position_table, jnp.arange(seq_length), axis=0)
    positions = jnp.broadcast_to(positions[:, None, :], (seq_length, batch_size, EMBEDDING_SIZE))
    return tokens + positions

if __name__ == "__main__":
    import jax
    _d = setup_inputs()
    print(jax.jit(kernel)(*tuple(_d.values())))

</pallas_src>

<mosaic_0001>
#map = affine_map<(d0, d1) -> (0, 0)>
#map1 = affine_map<(d0, d1) -> (0, 0, 0)>
module attributes {stable_mosaic.version = 14 : i64} {
  func.func @_emb_kernel(%arg0: i32, %arg1: i32, %arg2: memref<50x16384xi32, #tpu.memory_space<hbm>>, %arg3: memref<1000000x128xf32, #tpu.memory_space<hbm>>, %arg4: memref<50x64xf32, #tpu.memory_space<hbm>>, %arg5: memref<50x16384x128xf32, #tpu.memory_space<hbm>>, %arg6: memref<50x512xi32, #tpu.memory_space<vmem>>, %arg7: memref<128x128xf32, #tpu.memory_space<vmem>>, %arg8: memref<128x128xf32, #tpu.memory_space<vmem>>, %arg9: memref<128x128xf32, #tpu.memory_space<vmem>>, %arg10: memref<128x128xf32, #tpu.memory_space<vmem>>, %arg11: memref<50x64xf32, #tpu.memory_space<vmem>>, %arg12: memref<!tpu.dma_semaphore, #tpu.memory_space<semaphore_mem>>, %arg13: memref<!tpu.dma_semaphore, #tpu.memory_space<semaphore_mem>>, %arg14: memref<!tpu.dma_semaphore, #tpu.memory_space<semaphore_mem>>, %arg15: memref<!tpu.dma_semaphore, #tpu.memory_space<semaphore_mem>>, %arg16: memref<!tpu.dma_semaphore, #tpu.memory_space<semaphore_mem>>, %arg17: memref<!tpu.dma_semaphore, #tpu.memory_space<semaphore_mem>>, %arg18: memref<!tpu.dma_semaphore, #tpu.memory_space<semaphore_mem>>, %arg19: memref<!tpu.dma_semaphore, #tpu.memory_space<semaphore_mem>>, %arg20: memref<!tpu.dma_semaphore, #tpu.memory_space<semaphore_mem>>) attributes {dimension_semantics = [#tpu.dimension_semantics<core_parallel>, #tpu.dimension_semantics<subcore_parallel>], iteration_bounds = array<i64: 2, 16>, scalar_prefetch = 0 : i64, scratch_operands = 15 : i64, tpu.core_type = #tpu.core_type<sc_vector_subcore>, window_params = [{transform_indices = #map}, {transform_indices = #map}, {transform_indices = #map}, {transform_indices = #map1}]} {
    %mul3A = arith.constant 2 : i32
    %mul3A_0 = arith.muli %arg1, %mul3A : i32
    %add3A = arith.addi %mul3A_0, %arg0 : i32
    %mul3A_1 = arith.constant 512 : i32
    %mul3A_2 = arith.muli %add3A, %mul3A_1 : i32
    %dma_start3A = arith.constant 0 : i32
    %dma_start3A_3 = tpu.memref_slice %arg2[%dma_start3A, %mul3A_2] : memref<50x16384xi32, #tpu.memory_space<hbm>> -> memref<50x512xi32, #tpu.memory_space<hbm>>
    %dma_start3A_4 = arith.constant 0 : i32
    %dma_start3A_5 = tpu.memref_slice %arg2[%dma_start3A_4, %mul3A_2] : memref<50x16384xi32, #tpu.memory_space<hbm>> -> memref<50x512xi32, #tpu.memory_space<hbm>>
    tpu.enqueue_dma source(%dma_start3A_5 : memref<50x512xi32, #tpu.memory_space<hbm>>) target(%arg6 : memref<50x512xi32, #tpu.memory_space<vmem>>) target_semaphore(%arg12 : memref<!tpu.dma_semaphore, #tpu.memory_space<semaphore_mem>>)
    "tpu.region"() ({
      %run_scoped3A = tpu.sem_alloc : memref<!tpu.dma_semaphore, #tpu.memory_space<semaphore_mem>>
      tpu.enqueue_dma source(%arg4 : memref<50x64xf32, #tpu.memory_space<hbm>>) target(%arg11 : memref<50x64xf32, #tpu.memory_space<vmem>>) target_semaphore(%run_scoped3A : memref<!tpu.dma_semaphore, #tpu.memory_space<semaphore_mem>>)
      tpu.wait_dma2 semaphore(%run_scoped3A : memref<!tpu.dma_semaphore, #tpu.memory_space<semaphore_mem>>) src(%arg4 : memref<50x64xf32, #tpu.memory_space<hbm>>) dst(%arg11 : memref<50x64xf32, #tpu.memory_space<vmem>>)
      tpu.yield
    }) : () -> ()
    %dma_wait3A = arith.constant 0 : i32
    %dma_wait3A_6 = tpu.memref_slice %arg2[%dma_wait3A, %mul3A_2] : memref<50x16384xi32, #tpu.memory_space<hbm>> -> memref<50x512xi32, #tpu.memory_space<hbm>>
    %dma_wait3A_7 = arith.constant 0 : i32
    %dma_wait3A_8 = tpu.memref_slice %arg2[%dma_wait3A_7, %mul3A_2] : memref<50x16384xi32, #tpu.memory_space<hbm>> -> memref<50x512xi32, #tpu.memory_space<hbm>>
    tpu.wait_dma2 semaphore(%arg12 : memref<!tpu.dma_semaphore, #tpu.memory_space<semaphore_mem>>) src(%dma_wait3A_8 : memref<50x512xi32, #tpu.memory_space<hbm>>) dst(%arg6 : memref<50x512xi32, #tpu.memory_space<vmem>>)
    %get3A = arith.constant 0 : i32
    %get3A_9 = arith.index_cast %get3A : i32 to index
    %get3A_10 = arith.constant 0 : index
    %get3A_11 = tpu.vector_load %arg11[%get3A_9, %get3A_10] {strides = array<i32>} : memref<50x64xf32, #tpu.memory_space<vmem>>, vector<1x16xf32>,
    %get3A_12 = vector.shape_cast %get3A_11 : vector<1x16xf32> to vector<16xf32>
    %get3A_13 = arith.constant 0 : i32
    %get3A_14 = arith.index_cast %get3A_13 : i32 to index
    %get3A_15 = arith.constant 16 : index
    %get3A_16 = tpu.vector_load %arg11[%get3A_14, %get3A_15] {strides = array<i32>} : memref<50x64xf32, #tpu.memory_space<vmem>>, vector<1x16xf32>,
    %get3A_17 = vector.shape_cast %get3A_16 : vector<1x16xf32> to vector<16xf32>
    %get3A_18 = arith.constant 0 : i32
    %get3A_19 = arith.index_cast %get3A_18 : i32 to index
    %get3A_20 = arith.constant 32 : index
    %get3A_21 = tpu.vector_load %arg11[%get3A_19, %get3A_20] {strides = array<i32>} : memref<50x64xf32, #tpu.memory_space<vmem>>, vector<1x16xf32>,
    %get3A_22 = vector.shape_cast %get3A_21 : vector<1x16xf32> to vector<16xf32>
    %get3A_23 = arith.constant 0 : i32
    %get3A_24 = arith.index_cast %get3A_23 : i32 to index
    %get3A_25 = arith.constant 48 : index
    %get3A_26 = tpu.vector_load %arg11[%get3A_24, %get3A_25] {strides = array<i32>} : memref<50x64xf32, #tpu.memory_space<vmem>>, vector<1x16xf32>,
    %get3A_27 = vector.shape_cast %get3A_26 : vector<1x16xf32> to vector<16xf32>
    %scan3A = arith.constant 0 : i32
    %scan3A_28 = arith.constant 0 : i32
    %scan3A_29 = arith.constant 128 : i32
    %scan3A_30 = arith.addi %scan3A_28, %scan3A_29 : i32
    %scan3A_31 = arith.constant 4 : i32
    scf.for %scan3A_181 = %scan3A_28 to %scan3A_30 step %scan3A_31  : i32 {
      %swap3A = arith.index_cast %scan3A_181 : i32 to index
      %swap3A_182 = arith.constant 0 : index
      %swap3A_183 = tpu.vector_load %arg7[%swap3A, %swap3A_182] {strides = array<i32>} : memref<128x128xf32, #tpu.memory_space<vmem>>, vector<1x16xf32>,
      %swap3A_184 = vector.shape_cast %swap3A_183 : vector<1x16xf32> to vector<16xf32>
      %swap3A_185 = vector.shape_cast %get3A_12 : vector<16xf32> to vector<1x16xf32>
      tpu.vector_store %arg7[%swap3A, %swap3A_182], %swap3A_185 {strides = array<i32>} : memref<128x128xf32, #tpu.memory_space<vmem>>, vector<1x16xf32>,
      %swap3A_186 = arith.index_cast %scan3A_181 : i32 to index
      %swap3A_187 = arith.constant 16 : index
      %swap3A_188 = tpu.vector_load %arg7[%swap3A_186, %swap3A_187] {strides = array<i32>} : memref<128x128xf32, #tpu.memory_space<vmem>>, vector<1x16xf32>,
      %swap3A_189 = vector.shape_cast %swap3A_188 : vector<1x16xf32> to vector<16xf32>
      %swap3A_190 = vector.shape_cast %get3A_17 : vector<16xf32> to vector<1x16xf32>
      tpu.vector_store %arg7[%swap3A_186, %swap3A_187], %swap3A_190 {strides = array<i32>} : memref<128x128xf32, #tpu.memory_space<vmem>>, vector<1x16xf32>,
      %swap3A_191 = arith.index_cast %scan3A_181 : i32 to index
      %swap3A_192 = arith.constant 32 : index
      %swap3A_193 = tpu.vector_load %arg7[%swap3A_191, %swap3A_192] {strides = array<i32>} : memref<128x128xf32, #tpu.memory_space<vmem>>, vector<1x16xf32>,
      %swap3A_194 = vector.shape_cast %swap3A_193 : vector<1x16xf32> to vector<16xf32>
      %swap3A_195 = vector.shape_cast %get3A_22 : vector<16xf32> to vector<1x16xf32>
      tpu.vector_store %arg7[%swap3A_191, %swap3A_192], %swap3A_195 {strides = array<i32>} : memref<128x128xf32, #tpu.memory_space<vmem>>, vector<1x16xf32>,
      %swap3A_196 = arith.index_cast %scan3A_181 : i32 to index
      %swap3A_197 = arith.constant 48 : index
      %swap3A_198 = tpu.vector_load %arg7[%swap3A_196, %swap3A_197] {strides = array<i32>} : memref<128x128xf32, #tpu.memory_space<vmem>>, vector<1x16xf32>,
      %swap3A_199 = vector.shape_cast %swap3A_198 : vector<1x16xf32> to vector<16xf32>
      %swap3A_200 = vector.shape_cast %get3A_27 : vector<16xf32> to vector<1x16xf32>
      tpu.vector_store %arg7[%swap3A_196, %swap3A_197], %swap3A_200 {strides = array<i32>} : memref<128x128xf32, #tpu.memory_space<vmem>>, vector<1x16xf32>,
      %scan3A_201 = arith.constant 1 : i32
      %scan3A_202 = arith.addi %scan3A_181, %scan3A_201 : i32
      %swap3A_203 = arith.index_cast %scan3A_202 : i32 to index
      %swap3A_204 = arith.constant 0 : index
      %swap3A_205 = tpu.vector_load %arg7[%swap3A_203, %swap3A_204] {strides = array<i32>} : memref<128x128xf32, #tpu.memory_space<vmem>>, vector<1x16xf32>,
      %swap3A_206 = vector.shape_cast %swap3A_205 : vector<1x16xf32> to vector<16xf32>
      %swap3A_207 = vector.shape_cast %get3A_12 : vector<16xf32> to vector<1x16xf32>
      tpu.vector_store %arg7[%swap3A_203, %swap3A_204], %swap3A_207 {strides = array<i32>} : memref<128x128xf32, #tpu.memory_space<vmem>>, vector<1x16xf32>,
      %swap3A_208 = arith.index_cast %scan3A_202 : i32 to index
      %swap3A_209 = arith.constant 16 : index
      %swap3A_210 = tpu.vector_load %arg7[%swap3A_208, %swap3A_209] {strides = array<i32>} : memref<128x128xf32, #tpu.memory_space<vmem>>, vector<1x16xf32>,
      %swap3A_211 = vector.shape_cast %swap3A_210 : vector<1x16xf32> to vector<16xf32>
      %swap3A_212 = vector.shape_cast %get3A_17 : vector<16xf32> to vector<1x16xf32>
      tpu.vector_store %arg7[%swap3A_208, %swap3A_209], %swap3A_212 {strides = array<i32>} : memref<128x128xf32, #tpu.memory_space<vmem>>, vector<1x16xf32>,
      %swap3A_213 = arith.index_cast %scan3A_202 : i32 to index
      %swap3A_214 = arith.constant 32 : index
      %swap3A_215 = tpu.vector_load %arg7[%swap3A_213, %swap3A_214] {strides = array<i32>} : memref<128x128xf32, #tpu.memory_space<vmem>>, vector<1x16xf32>,
      %swap3A_216 = vector.shape_cast %swap3A_215 : vector<1x16xf32> to vector<16xf32>
      %swap3A_217 = vector.shape_cast %get3A_22 : vector<16xf32> to vector<1x16xf32>
      tpu.vector_store %arg7[%swap3A_213, %swap3A_214], %swap3A_217 {strides = array<i32>} : memref<128x128xf32, #tpu.memory_space<vmem>>, vector<1x16xf32>,
      %swap3A_218 = arith.index_cast %scan3A_202 : i32 to index
      %swap3A_219 = arith.constant 48 : index
      %swap3A_220 = tpu.vector_load %arg7[%swap3A_218, %swap3A_219] {strides = array<i32>} : memref<128x128xf32, #tpu.memory_space<vmem>>, vector<1x16xf32>,
      %swap3A_221 = vector.shape_cast %swap3A_220 : vector<1x16xf32> to vector<16xf32>
      %swap3A_222 = vector.shape_cast %get3A_27 : vector<16xf32> to vector<1x16xf32>
      tpu.vector_store %arg7[%swap3A_218, %swap3A_219], %swap3A_222 {strides = array<i32>} : memref<128x128xf32, #tpu.memory_space<vmem>>, vector<1x16xf32>,
      %scan3A_223 = arith.constant 2 : i32
      %scan3A_224 = arith.addi %scan3A_181, %scan3A_223 : i32
      %swap3A_225 = arith.index_cast %scan3A_224 : i32 to index
      %swap3A_226 = arith.constant 0 : index
      %swap3A_227 = tpu.vector_load %arg7[%swap3A_225, %swap3A_226] {strides = array<i32>} : memref<128x128xf32, #tpu.memory_space<vmem>>, vector<1x16xf32>,
      %swap3A_228 = vector.shape_cast %swap3A_227 : vector<1x16xf32> to vector<16xf32>
      %swap3A_229 = vector.shape_cast %get3A_12 : vector<16xf32> to vector<1x16xf32>
      tpu.vector_store %arg7[%swap3A_225, %swap3A_226], %swap3A_229 {strides = array<i32>} : memref<128x128xf32, #tpu.memory_space<vmem>>, vector<1x16xf32>,
      %swap3A_230 = arith.index_cast %scan3A_224 : i32 to index
      %swap3A_231 = arith.constant 16 : index
      %swap3A_232 = tpu.vector_load %arg7[%swap3A_230, %swap3A_231] {strides = array<i32>} : memref<128x128xf32, #tpu.memory_space<vmem>>, vector<1x16xf32>,
      %swap3A_233 = vector.shape_cast %swap3A_232 : vector<1x16xf32> to vector<16xf32>
      %swap3A_234 = vector.shape_cast %get3A_17 : vector<16xf32> to vector<1x16xf32>
      tpu.vector_store %arg7[%swap3A_230, %swap3A_231], %swap3A_234 {strides = array<i32>} : memref<128x128xf32, #tpu.memory_space<vmem>>, vector<1x16xf32>,
      %swap3A_235 = arith.index_cast %scan3A_224 : i32 to index
      %swap3A_236 = arith.constant 32 : index
      %swap3A_237 = tpu.vector_load %arg7[%swap3A_235, %swap3A_236] {strides = array<i32>} : memref<128x128xf32, #tpu.memory_space<vmem>>, vector<1x16xf32>,
      %swap3A_238 = vector.shape_cast %swap3A_237 : vector<1x16xf32> to vector<16xf32>
      %swap3A_239 = vector.shape_cast %get3A_22 : vector<16xf32> to vector<1x16xf32>
      tpu.vector_store %arg7[%swap3A_235, %swap3A_236], %swap3A_239 {strides = array<i32>} : memref<128x128xf32, #tpu.memory_space<vmem>>, vector<1x16xf32>,
      %swap3A_240 = arith.index_cast %scan3A_224 : i32 to index
      %swap3A_241 = arith.constant 48 : index
      %swap3A_242 = tpu.vector_load %arg7[%swap3A_240, %swap3A_241] {strides = array<i32>} : memref<128x128xf32, #tpu.memory_space<vmem>>, vector<1x16xf32>,
      %swap3A_243 = vector.shape_cast %swap3A_242 : vector<1x16xf32> to vector<16xf32>
      %swap3A_244 = vector.shape_cast %get3A_27 : vector<16xf32> to vector<1x16xf32>
      tpu.vector_store %arg7[%swap3A_240, %swap3A_241], %swap3A_244 {strides = array<i32>} : memref<128x128xf32, #tpu.memory_space<vmem>>, vector<1x16xf32>,
      %scan3A_245 = arith.constant 3 : i32
      %scan3A_246 = arith.addi %scan3A_181, %scan3A_245 : i32
      %swap3A_247 = arith.index_cast %scan3A_246 : i32 to index
      %swap3A_248 = arith.constant 0 : index
      %swap3A_249 = tpu.vector_load %arg7[%swap3A_247, %swap3A_248] {strides = array<i32>} : memref<128x128xf32, #tpu.memory_space<vmem>>, vector<1x16xf32>,
      %swap3A_250 = vector.shape_cast %swap3A_249 : vector<1x16xf32> to vector<16xf32>
      %swap3A_251 = vector.shape_cast %get3A_12 : vector<16xf32> to vector<1x16xf32>
      tpu.vector_store %arg7[%swap3A_247, %swap3A_248], %swap3A_251 {strides = array<i32>} : memref<128x128xf32, #tpu.memory_space<vmem>>, vector<1x16xf32>,
      %swap3A_252 = arith.index_cast %scan3A_246 : i32 to index
      %swap3A_253 = arith.constant 16 : index
      %swap3A_254 = tpu.vector_load %arg7[%swap3A_252, %swap3A_253] {strides = array<i32>} : memref<128x128xf32, #tpu.memory_space<vmem>>, vector<1x16xf32>,
      %swap3A_255 = vector.shape_cast %swap3A_254 : vector<1x16xf32> to vector<16xf32>
      %swap3A_256 = vector.shape_cast %get3A_17 : vector<16xf32> to vector<1x16xf32>
      tpu.vector_store %arg7[%swap3A_252, %swap3A_253], %swap3A_256 {strides = array<i32>} : memref<128x128xf32, #tpu.memory_space<vmem>>, vector<1x16xf32>,
      %swap3A_257 = arith.index_cast %scan3A_246 : i32 to index
      %swap3A_258 = arith.constant 32 : index
      %swap3A_259 = tpu.vector_load %arg7[%swap3A_257, %swap3A_258] {strides = array<i32>} : memref<128x128xf32, #tpu.memory_space<vmem>>, vector<1x16xf32>,
      %swap3A_260 = vector.shape_cast %swap3A_259 : vector<1x16xf32> to vector<16xf32>
      %swap3A_261 = vector.shape_cast %get3A_22 : vector<16xf32> to vector<1x16xf32>
      tpu.vector_store %arg7[%swap3A_257, %swap3A_258], %swap3A_261 {strides = array<i32>} : memref<128x128xf32, #tpu.memory_space<vmem>>, vector<1x16xf32>,
      %swap3A_262 = arith.index_cast %scan3A_246 : i32 to index
      %swap3A_263 = arith.constant 48 : index
      %swap3A_264 = tpu.vector_load %arg7[%swap3A_262, %swap3A_263] {strides = array<i32>} : memref<128x128xf32, #tpu.memory_space<vmem>>, vector<1x16xf32>,
      %swap3A_265 = vector.shape_cast %swap3A_264 : vector<1x16xf32> to vector<16xf32>
      %swap3A_266 = vector.shape_cast %get3A_27 : vector<16xf32> to vector<1x16xf32>
      tpu.vector_store %arg7[%swap3A_262, %swap3A_263], %swap3A_266 {strides = array<i32>} : memref<128x128xf32, #tpu.memory_space<vmem>>, vector<1x16xf32>,
    }
    %scan3A_32 = arith.constant 128 : i32
    %dma_start3A_33 = arith.constant 0 : i32
    %dma_start3A_34 = arith.constant 0 : i32
    %dma_start3A_35 = tpu.memref_slice %arg6[%dma_start3A_33, %dma_start3A_34] : memref<50x512xi32, #tpu.memory_space<vmem>> -> memref<1x128xi32, #tpu.memory_space<vmem>>
    %dma_start3A_36 = tpu.memref_squeeze %dma_start3A_35 : memref<1x128xi32, #tpu.memory_space<vmem>> -> memref<128xi32, #tpu.memory_space<vmem>>
    %dma_start3A_37 = arith.constant 0 : i32
    %dma_start3A_38 = arith.constant 0 : i32
    %dma_start3A_39 = tpu.memref_slice %arg3[%dma_start3A_37, %dma_start3A_38] : memref<1000000x128xf32, #tpu.memory_space<hbm>> -> memref<1000000x128xf32, #tpu.memory_space<hbm>>
    tpu.enqueue_indirect_dma source(%dma_start3A_39 : memref<1000000x128xf32, #tpu.memory_space<hbm>>) target(%arg7 : memref<128x128xf32, #tpu.memory_space<vmem>>) offsets(%dma_start3A_36 : memref<128xi32, #tpu.memory_space<vmem>>) semaphore(%arg13 : memref<!tpu.dma_semaphore, #tpu.memory_space<semaphore_mem>>) {add = true}
    %get3A_40 = arith.constant 0 : i32
    %get3A_41 = arith.index_cast %get3A_40 : i32 to index
    %get3A_42 = arith.constant 0 : index
    %get3A_43 = tpu.vector_load %arg11[%get3A_41, %get3A_42] {strides = array<i32>} : memref<50x64xf32, #tpu.memory_space<vmem>>, vector<1x16xf32>,
    %get3A_44 = vector.shape_cast %get3A_43 : vector<1x16xf32> to vector<16xf32>
    %get3A_45 = arith.constant 0 : i32
    %get3A_46 = arith.index_cast %get3A_45 : i32 to index
    %get3A_47 = arith.constant 16 : index
    %get3A_48 = tpu.vector_load %arg11[%get3A_46, %get3A_47] {strides = array<i32>} : memref<50x64xf32, #tpu.memory_space<vmem>>, vector<1x16xf32>,
    %get3A_49 = vector.shape_cast %get3A_48 : vector<1x16xf32> to vector<16xf32>
    %get3A_50 = arith.constant 0 : i32
    %get3A_51 = arith.index_cast %get3A_50 : i32 to index
    %get3A_52 = arith.constant 32 : index
    %get3A_53 = tpu.vector_load %arg11[%get3A_51, %get3A_52] {strides = array<i32>} : memref<50x64xf32, #tpu.memory_space<vmem>>, vector<1x16xf32>,
    %get3A_54 = vector.shape_cast %get3A_53 : vector<1x16xf32> to vector<16xf32>
    %get3A_55 = arith.constant 0 : i32
    %get3A_56 = arith.index_cast %get3A_55 : i32 to index
    %get3A_57 = arith.constant 48 : index
    %get3A_58 = tpu.vector_load %arg11[%get3A_56, %get3A_57] {strides = array<i32>} : memref<50x64xf32, #tpu.memory_space<vmem>>, vector<1x16xf32>,
    %get3A_59 = vector.shape_cast %get3A_58 : vector<1x16xf32> to vector<16xf32>
    %scan3A_60 = arith.constant 0 : i32
    %scan3A_61 = arith.constant 0 : i32
    %scan3A_62 = arith.constant 128 : i32
    %scan3A_63 = arith.addi %scan3A_61, %scan3A_62 : i32
    %scan3A_64 = arith.constant 4 : i32
    scf.for %scan3A_181 = %scan3A_61 to %scan3A_63 step %scan3A_64  : i32 {
      %swap3A = arith.index_cast %scan3A_181 : i32 to index
      %swap3A_182 = arith.constant 0 : index
      %swap3A_183 = tpu.vector_load %arg8[%swap3A, %swap3A_182] {strides = array<i32>} : memref<128x128xf32, #tpu.memory_space<vmem>>, vector<1x16xf32>,
      %swap3A_184 = vector.shape_cast %swap3A_183 : vector<1x16xf32> to vector<16xf32>
      %swap3A_185 = vector.shape_cast %get3A_44 : vector<16xf32> to vector<1x16xf32>
      tpu.vector_store %arg8[%swap3A, %swap3A_182], %swap3A_185 {strides = array<i32>} : memref<128x128xf32, #tpu.memory_space<vmem>>, vector<1x16xf32>,
      %swap3A_186 = arith.index_cast %scan3A_181 : i32 to index
      %swap3A_187 = arith.constant 16 : index
      %swap3A_188 = tpu.vector_load %arg8[%swap3A_186, %swap3A_187] {strides = array<i32>} : memref<128x128xf32, #tpu.memory_space<vmem>>, vector<1x16xf32>,
      %swap3A_189 = vector.shape_cast %swap3A_188 : vector<1x16xf32> to vector<16xf32>
      %swap3A_190 = vector.shape_cast %get3A_49 : vector<16xf32> to vector<1x16xf32>
      tpu.vector_store %arg8[%swap3A_186, %swap3A_187], %swap3A_190 {strides = array<i32>} : memref<128x128xf32, #tpu.memory_space<vmem>>, vector<1x16xf32>,
      %swap3A_191 = arith.index_cast %scan3A_181 : i32 to index
      %swap3A_192 = arith.constant 32 : index
      %swap3A_193 = tpu.vector_load %arg8[%swap3A_191, %swap3A_192] {strides = array<i32>} : memref<128x128xf32, #tpu.memory_space<vmem>>, vector<1x16xf32>,
      %swap3A_194 = vector.shape_cast %swap3A_193 : vector<1x16xf32> to vector<16xf32>
      %swap3A_195 = vector.shape_cast %get3A_54 : vector<16xf32> to vector<1x16xf32>
      tpu.vector_store %arg8[%swap3A_191, %swap3A_192], %swap3A_195 {strides = array<i32>} : memref<128x128xf32, #tpu.memory_space<vmem>>, vector<1x16xf32>,
      %swap3A_196 = arith.index_cast %scan3A_181 : i32 to index
      %swap3A_197 = arith.constant 48 : index
      %swap3A_198 = tpu.vector_load %arg8[%swap3A_196, %swap3A_197] {strides = array<i32>} : memref<128x128xf32, #tpu.memory_space<vmem>>, vector<1x16xf32>,
      %swap3A_199 = vector.shape_cast %swap3A_198 : vector<1x16xf32> to vector<16xf32>
      %swap3A_200 = vector.shape_cast %get3A_59 : vector<16xf32> to vector<1x16xf32>
      tpu.vector_store %arg8[%swap3A_196, %swap3A_197], %swap3A_200 {strides = array<i32>} : memref<128x128xf32, #tpu.memory_space<vmem>>, vector<1x16xf32>,
      %scan3A_201 = arith.constant 1 : i32
      %scan3A_202 = arith.addi %scan3A_181, %scan3A_201 : i32
      %swap3A_203 = arith.index_cast %scan3A_202 : i32 to index
      %swap3A_204 = arith.constant 0 : index
      %swap3A_205 = tpu.vector_load %arg8[%swap3A_203, %swap3A_204] {strides = array<i32>} : memref<128x128xf32, #tpu.memory_space<vmem>>, vector<1x16xf32>,
      %swap3A_206 = vector.shape_cast %swap3A_205 : vector<1x16xf32> to vector<16xf32>
      %swap3A_207 = vector.shape_cast %get3A_44 : vector<16xf32> to vector<1x16xf32>
      tpu.vector_store %arg8[%swap3A_203, %swap3A_204], %swap3A_207 {strides = array<i32>} : memref<128x128xf32, #tpu.memory_space<vmem>>, vector<1x16xf32>,
      %swap3A_208 = arith.index_cast %scan3A_202 : i32 to index
      %swap3A_209 = arith.constant 16 : index
      %swap3A_210 = tpu.vector_load %arg8[%swap3A_208, %swap3A_209] {strides = array<i32>} : memref<128x128xf32, #tpu.memory_space<vmem>>, vector<1x16xf32>,
      %swap3A_211 = vector.shape_cast %swap3A_210 : vector<1x16xf32> to vector<16xf32>
      %swap3A_212 = vector.shape_cast %get3A_49 : vector<16xf32> to vector<1x16xf32>
      tpu.vector_store %arg8[%swap3A_208, %swap3A_209], %swap3A_212 {strides = array<i32>} : memref<128x128xf32, #tpu.memory_space<vmem>>, vector<1x16xf32>,
      %swap3A_213 = arith.index_cast %scan3A_202 : i32 to index
      %swap3A_214 = arith.constant 32 : index
      %swap3A_215 = tpu.vector_load %arg8[%swap3A_213, %swap3A_214] {strides = array<i32>} : memref<128x128xf32, #tpu.memory_space<vmem>>, vector<1x16xf32>,
      %swap3A_216 = vector.shape_cast %swap3A_215 : vector<1x16xf32> to vector<16xf32>
      %swap3A_217 = vector.shape_cast %get3A_54 : vector<16xf32> to vector<1x16xf32>
      tpu.vector_store %arg8[%swap3A_213, %swap3A_214], %swap3A_217 {strides = array<i32>} : memref<128x128xf32, #tpu.memory_space<vmem>>, vector<1x16xf32>,
      %swap3A_218 = arith.index_cast %scan3A_202 : i32 to index
      %swap3A_219 = arith.constant 48 : index
      %swap3A_220 = tpu.vector_load %arg8[%swap3A_218, %swap3A_219] {strides = array<i32>} : memref<128x128xf32, #tpu.memory_space<vmem>>, vector<1x16xf32>,
      %swap3A_221 = vector.shape_cast %swap3A_220 : vector<1x16xf32> to vector<16xf32>
      %swap3A_222 = vector.shape_cast %get3A_59 : vector<16xf32> to vector<1x16xf32>
      tpu.vector_store %arg8[%swap3A_218, %swap3A_219], %swap3A_222 {strides = array<i32>} : memref<128x128xf32, #tpu.memory_space<vmem>>, vector<1x16xf32>,
      %scan3A_223 = arith.constant 2 : i32
      %scan3A_224 = arith.addi %scan3A_181, %scan3A_223 : i32
      %swap3A_225 = arith.index_cast %scan3A_224 : i32 to index
      %swap3A_226 = arith.constant 0 : index
      %swap3A_227 = tpu.vector_load %arg8[%swap3A_225, %swap3A_226] {strides = array<i32>} : memref<128x128xf32, #tpu.memory_space<vmem>>, vector<1x16xf32>,
      %swap3A_228 = vector.shape_cast %swap3A_227 : vector<1x16xf32> to vector<16xf32>
      %swap3A_229 = vector.shape_cast %get3A_44 : vector<16xf32> to vector<1x16xf32>
      tpu.vector_store %arg8[%swap3A_225, %swap3A_226], %swap3A_229 {strides = array<i32>} : memref<128x128xf32, #tpu.memory_space<vmem>>, vector<1x16xf32>,
      %swap3A_230 = arith.index_cast %scan3A_224 : i32 to index
      %swap3A_231 = arith.constant 16 : index
      %swap3A_232 = tpu.vector_load %arg8[%swap3A_230, %swap3A_231] {strides = array<i32>} : memref<128x128xf32, #tpu.memory_space<vmem>>, vector<1x16xf32>,
      %swap3A_233 = vector.shape_cast %swap3A_232 : vector<1x16xf32> to vector<16xf32>
      %swap3A_234 = vector.shape_cast %get3A_49 : vector<16xf32> to vector<1x16xf32>
      tpu.vector_store %arg8[%swap3A_230, %swap3A_231], %swap3A_234 {strides = array<i32>} : memref<128x128xf32, #tpu.memory_space<vmem>>, vector<1x16xf32>,
      %swap3A_235 = arith.index_cast %scan3A_224 : i32 to index
      %swap3A_236 = arith.constant 32 : index
      %swap3A_237 = tpu.vector_load %arg8[%swap3A_235, %swap3A_236] {strides = array<i32>} : memref<128x128xf32, #tpu.memory_space<vmem>>, vector<1x16xf32>,
      %swap3A_238 = vector.shape_cast %swap3A_237 : vector<1x16xf32> to vector<16xf32>
      %swap3A_239 = vector.shape_cast %get3A_54 : vector<16xf32> to vector<1x16xf32>
      tpu.vector_store %arg8[%swap3A_235, %swap3A_236], %swap3A_239 {strides = array<i32>} : memref<128x128xf32, #tpu.memory_space<vmem>>, vector<1x16xf32>,
      %swap3A_240 = arith.index_cast %scan3A_224 : i32 to index
      %swap3A_241 = arith.constant 48 : index
      %swap3A_242 = tpu.vector_load %arg8[%swap3A_240, %swap3A_241] {strides = array<i32>} : memref<128x128xf32, #tpu.memory_space<vmem>>, vector<1x16xf32>,
      %swap3A_243 = vector.shape_cast %swap3A_242 : vector<1x16xf32> to vector<16xf32>
      %swap3A_244 = vector.shape_cast %get3A_59 : vector<16xf32> to vector<1x16xf32>
      tpu.vector_store %arg8[%swap3A_240, %swap3A_241], %swap3A_244 {strides = array<i32>} : memref<128x128xf32, #tpu.memory_space<vmem>>, vector<1x16xf32>,
      %scan3A_245 = arith.constant 3 : i32
      %scan3A_246 = arith.addi %scan3A_181, %scan3A_245 : i32
      %swap3A_247 = arith.index_cast %scan3A_246 : i32 to index
      %swap3A_248 = arith.constant 0 : index
      %swap3A_249 = tpu.vector_load %arg8[%swap3A_247, %swap3A_248] {strides = array<i32>} : memref<128x128xf32, #tpu.memory_space<vmem>>, vector<1x16xf32>,
      %swap3A_250 = vector.shape_cast %swap3A_249 : vector<1x16xf32> to vector<16xf32>
      %swap3A_251 = vector.shape_cast %get3A_44 : vector<16xf32> to vector<1x16xf32>
      tpu.vector_store %arg8[%swap3A_247, %swap3A_248], %swap3A_251 {strides = array<i32>} : memref<128x128xf32, #tpu.memory_space<vmem>>, vector<1x16xf32>,
      %swap3A_252 = arith.index_cast %scan3A_246 : i32 to index
      %swap3A_253 = arith.constant 16 : index
      %swap3A_254 = tpu.vector_load %arg8[%swap3A_252, %swap3A_253] {strides = array<i32>} : memref<128x128xf32, #tpu.memory_space<vmem>>, vector<1x16xf32>,
      %swap3A_255 = vector.shape_cast %swap3A_254 : vector<1x16xf32> to vector<16xf32>
      %swap3A_256 = vector.shape_cast %get3A_49 : vector<16xf32> to vector<1x16xf32>
      tpu.vector_store %arg8[%swap3A_252, %swap3A_253], %swap3A_256 {strides = array<i32>} : memref<128x128xf32, #tpu.memory_space<vmem>>, vector<1x16xf32>,
      %swap3A_257 = arith.index_cast %scan3A_246 : i32 to index
      %swap3A_258 = arith.constant 32 : index
      %swap3A_259 = tpu.vector_load %arg8[%swap3A_257, %swap3A_258] {strides = array<i32>} : memref<128x128xf32, #tpu.memory_space<vmem>>, vector<1x16xf32>,
      %swap3A_260 = vector.shape_cast %swap3A_259 : vector<1x16xf32> to vector<16xf32>
      %swap3A_261 = vector.shape_cast %get3A_54 : vector<16xf32> to vector<1x16xf32>
      tpu.vector_store %arg8[%swap3A_257, %swap3A_258], %swap3A_261 {strides = array<i32>} : memref<128x128xf32, #tpu.memory_space<vmem>>, vector<1x16xf32>,
      %swap3A_262 = arith.index_cast %scan3A_246 : i32 to index
      %swap3A_263 = arith.constant 48 : index
      %swap3A_264 = tpu.vector_load %arg8[%swap3A_262, %swap3A_263] {strides = array<i32>} : memref<128x128xf32, #tpu.memory_space<vmem>>, vector<1x16xf32>,
      %swap3A_265 = vector.shape_cast %swap3A_264 : vector<1x16xf32> to vector<16xf32>
      %swap3A_266 = vector.shape_cast %get3A_59 : vector<16xf32> to vector<1x16xf32>
      tpu.vector_store %arg8[%swap3A_262, %swap3A_263], %swap3A_266 {strides = array<i32>} : memref<128x128xf32, #tpu.memory_space<vmem>>, vector<1x16xf32>,
    }
    %scan3A_65 = arith.constant 128 : i32
    %dma_start3A_66 = arith.constant 0 : i32
    %dma_start3A_67 = arith.constant 128 : i32
    %dma_start3A_68 = tpu.memref_slice %arg6[%dma_start3A_66, %dma_start3A_67] : memref<50x512xi32, #tpu.memory_space<vmem>> -> memref<1x128xi32, #tpu.memory_space<vmem>>
    %dma_start3A_69 = tpu.memref_squeeze %dma_start3A_68 : memref<1x128xi32, #tpu.memory_space<vmem>> -> memref<128xi32, #tpu.memory_space<vmem>>
    %dma_start3A_70 = arith.constant 0 : i32
    %dma_start3A_71 = arith.constant 0 : i32
    %dma_start3A_72 = tpu.memref_slice %arg3[%dma_start3A_70, %dma_start3A_71] : memref<1000000x128xf32, #tpu.memory_space<hbm>> -> memref<1000000x128xf32, #tpu.memory_space<hbm>>
    tpu.enqueue_indirect_dma source(%dma_start3A_72 : memref<1000000x128xf32, #tpu.memory_space<hbm>>) target(%arg8 : memref<128x128xf32, #tpu.memory_space<vmem>>) offsets(%dma_start3A_69 : memref<128xi32, #tpu.memory_space<vmem>>) semaphore(%arg14 : memref<!tpu.dma_semaphore, #tpu.memory_space<semaphore_mem>>) {add = true}
    %get3A_73 = arith.constant 0 : i32
    %get3A_74 = arith.index_cast %get3A_73 : i32 to index
    %get3A_75 = arith.constant 0 : index
    %get3A_76 = tpu.vector_load %arg11[%get3A_74, %get3A_75] {strides = array<i32>} : memref<50x64xf32, #tpu.memory_space<vmem>>, vector<1x16xf32>,
    %get3A_77 = vector.shape_cast %get3A_76 : vector<1x16xf32> to vector<16xf32>
    %get3A_78 = arith.constant 0 : i32
    %get3A_79 = arith.index_cast %get3A_78 : i32 to index
    %get3A_80 = arith.constant 16 : index
    %get3A_81 = tpu.vector_load %arg11[%get3A_79, %get3A_80] {strides = array<i32>} : memref<50x64xf32, #tpu.memory_space<vmem>>, vector<1x16xf32>,
    %get3A_82 = vector.shape_cast %get3A_81 : vector<1x16xf32> to vector<16xf32>
    %get3A_83 = arith.constant 0 : i32
    %get3A_84 = arith.index_cast %get3A_83 : i32 to index
    %get3A_85 = arith.constant 32 : index
    %get3A_86 = tpu.vector_load %arg11[%get3A_84, %get3A_85] {strides = array<i32>} : memref<50x64xf32, #tpu.memory_space<vmem>>, vector<1x16xf32>,
    %get3A_87 = vector.shape_cast %get3A_86 : vector<1x16xf32> to vector<16xf32>
    %get3A_88 = arith.constant 0 : i32
    %get3A_89 = arith.index_cast %get3A_88 : i32 to index
    %get3A_90 = arith.constant 48 : index
    %get3A_91 = tpu.vector_load %arg11[%get3A_89, %get3A_90] {strides = array<i32>} : memref<50x64xf32, #tpu.memory_space<vmem>>, vector<1x16xf32>,
    %get3A_92 = vector.shape_cast %get3A_91 : vector<1x16xf32> to vector<16xf32>
    %scan3A_93 = arith.constant 0 : i32
    %scan3A_94 = arith.constant 0 : i32
    %scan3A_95 = arith.constant 128 : i32
    %scan3A_96 = arith.addi %scan3A_94, %scan3A_95 : i32
    %scan3A_97 = arith.constant 4 : i32
    scf.for %scan3A_181 = %scan3A_94 to %scan3A_96 step %scan3A_97  : i32 {
      %swap3A = arith.index_cast %scan3A_181 : i32 to index
      %swap3A_182 = arith.constant 0 : index
      %swap3A_183 = tpu.vector_load %arg9[%swap3A, %swap3A_182] {strides = array<i32>} : memref<128x128xf32, #tpu.memory_space<vmem>>, vector<1x16xf32>,
      %swap3A_184 = vector.shape_cast %swap3A_183 : vector<1x16xf32> to vector<16xf32>
      %swap3A_185 = vector.shape_cast %get3A_77 : vector<16xf32> to vector<1x16xf32>
      tpu.vector_store %arg9[%swap3A, %swap3A_182], %swap3A_185 {strides = array<i32>} : memref<128x128xf32, #tpu.memory_space<vmem>>, vector<1x16xf32>,
      %swap3A_186 = arith.index_cast %scan3A_181 : i32 to index
      %swap3A_187 = arith.constant 16 : index
      %swap3A_188 = tpu.vector_load %arg9[%swap3A_186, %swap3A_187] {strides = array<i32>} : memref<128x128xf32, #tpu.memory_space<vmem>>, vector<1x16xf32>,
      %swap3A_189 = vector.shape_cast %swap3A_188 : vector<1x16xf32> to vector<16xf32>
      %swap3A_190 = vector.shape_cast %get3A_82 : vector<16xf32> to vector<1x16xf32>
      tpu.vector_store %arg9[%swap3A_186, %swap3A_187], %swap3A_190 {strides = array<i32>} : memref<128x128xf32, #tpu.memory_space<vmem>>, vector<1x16xf32>,
      %swap3A_191 = arith.index_cast %scan3A_181 : i32 to index
      %swap3A_192 = arith.constant 32 : index
      %swap3A_193 = tpu.vector_load %arg9[%swap3A_191, %swap3A_192] {strides = array<i32>} : memref<128x128xf32, #tpu.memory_space<vmem>>, vector<1x16xf32>,
      %swap3A_194 = vector.shape_cast %swap3A_193 : vector<1x16xf32> to vector<16xf32>
      %swap3A_195 = vector.shape_cast %get3A_87 : vector<16xf32> to vector<1x16xf32>
      tpu.vector_store %arg9[%swap3A_191, %swap3A_192], %swap3A_195 {strides = array<i32>} : memref<128x128xf32, #tpu.memory_space<vmem>>, vector<1x16xf32>,
      %swap3A_196 = arith.index_cast %scan3A_181 : i32 to index
      %swap3A_197 = arith.constant 48 : index
      %swap3A_198 = tpu.vector_load %arg9[%swap3A_196, %swap3A_197] {strides = array<i32>} : memref<128x128xf32, #tpu.memory_space<vmem>>, vector<1x16xf32>,
      %swap3A_199 = vector.shape_cast %swap3A_198 : vector<1x16xf32> to vector<16xf32>
      %swap3A_200 = vector.shape_cast %get3A_92 : vector<16xf32> to vector<1x16xf32>
      tpu.vector_store %arg9[%swap3A_196, %swap3A_197], %swap3A_200 {strides = array<i32>} : memref<128x128xf32, #tpu.memory_space<vmem>>, vector<1x16xf32>,
      %scan3A_201 = arith.constant 1 : i32
      %scan3A_202 = arith.addi %scan3A_181, %scan3A_201 : i32
      %swap3A_203 = arith.index_cast %scan3A_202 : i32 to index
      %swap3A_204 = arith.constant 0 : index
      %swap3A_205 = tpu.vector_load %arg9[%swap3A_203, %swap3A_204] {strides = array<i32>} : memref<128x128xf32, #tpu.memory_space<vmem>>, vector<1x16xf32>,
      %swap3A_206 = vector.shape_cast %swap3A_205 : vector<1x16xf32> to vector<16xf32>
      %swap3A_207 = vector.shape_cast %get3A_77 : vector<16xf32> to vector<1x16xf32>
      tpu.vector_store %arg9[%swap3A_203, %swap3A_204], %swap3A_207 {strides = array<i32>} : memref<128x128xf32, #tpu.memory_space<vmem>>, vector<1x16xf32>,
      %swap3A_208 = arith.index_cast %scan3A_202 : i32 to index
      %swap3A_209 = arith.constant 16 : index
      %swap3A_210 = tpu.vector_load %arg9[%swap3A_208, %swap3A_209] {strides = array<i32>} : memref<128x128xf32, #tpu.memory_space<vmem>>, vector<1x16xf32>,
      %swap3A_211 = vector.shape_cast %swap3A_210 : vector<1x16xf32> to vector<16xf32>
      %swap3A_212 = vector.shape_cast %get3A_82 : vector<16xf32> to vector<1x16xf32>
      tpu.vector_store %arg9[%swap3A_208, %swap3A_209], %swap3A_212 {strides = array<i32>} : memref<128x128xf32, #tpu.memory_space<vmem>>, vector<1x16xf32>,
      %swap3A_213 = arith.index_cast %scan3A_202 : i32 to index
      %swap3A_214 = arith.constant 32 : index
      %swap3A_215 = tpu.vector_load %arg9[%swap3A_213, %swap3A_214] {strides = array<i32>} : memref<128x128xf32, #tpu.memory_space<vmem>>, vector<1x16xf32>,
      %swap3A_216 = vector.shape_cast %swap3A_215 : vector<1x16xf32> to vector<16xf32>
      %swap3A_217 = vector.shape_cast %get3A_87 : vector<16xf32> to vector<1x16xf32>
      tpu.vector_store %arg9[%swap3A_213, %swap3A_214], %swap3A_217 {strides = array<i32>} : memref<128x128xf32, #tpu.memory_space<vmem>>, vector<1x16xf32>,
      %swap3A_218 = arith.index_cast %scan3A_202 : i32 to index
      %swap3A_219 = arith.constant 48 : index
      %swap3A_220 = tpu.vector_load %arg9[%swap3A_218, %swap3A_219] {strides = array<i32>} : memref<128x128xf32, #tpu.memory_space<vmem>>, vector<1x16xf32>,
      %swap3A_221 = vector.shape_cast %swap3A_220 : vector<1x16xf32> to vector<16xf32>
      %swap3A_222 = vector.shape_cast %get3A_92 : vector<16xf32> to vector<1x16xf32>
      tpu.vector_store %arg9[%swap3A_218, %swap3A_219], %swap3A_222 {strides = array<i32>} : memref<128x128xf32, #tpu.memory_space<vmem>>, vector<1x16xf32>,
      %scan3A_223 = arith.constant 2 : i32
      %scan3A_224 = arith.addi %scan3A_181, %scan3A_223 : i32
      %swap3A_225 = arith.index_cast %scan3A_224 : i32 to index
      %swap3A_226 = arith.constant 0 : index
      %swap3A_227 = tpu.vector_load %arg9[%swap3A_225, %swap3A_226] {strides = array<i32>} : memref<128x128xf32, #tpu.memory_space<vmem>>, vector<1x16xf32>,
      %swap3A_228 = vector.shape_cast %swap3A_227 : vector<1x16xf32> to vector<16xf32>
      %swap3A_229 = vector.shape_cast %get3A_77 : vector<16xf32> to vector<1x16xf32>
      tpu.vector_store %arg9[%swap3A_225, %swap3A_226], %swap3A_229 {strides = array<i32>} : memref<128x128xf32, #tpu.memory_space<vmem>>, vector<1x16xf32>,
      %swap3A_230 = arith.index_cast %scan3A_224 : i32 to index
      %swap3A_231 = arith.constant 16 : index
      %swap3A_232 = tpu.vector_load %arg9[%swap3A_230, %swap3A_231] {strides = array<i32>} : memref<128x128xf32, #tpu.memory_space<vmem>>, vector<1x16xf32>,
      %swap3A_233 = vector.shape_cast %swap3A_232 : vector<1x16xf32> to vector<16xf32>
      %swap3A_234 = vector.shape_cast %get3A_82 : vector<16xf32> to vector<1x16xf32>
      tpu.vector_store %arg9[%swap3A_230, %swap3A_231], %swap3A_234 {strides = array<i32>} : memref<128x128xf32, #tpu.memory_space<vmem>>, vector<1x16xf32>,
      %swap3A_235 = arith.index_cast %scan3A_224 : i32 to index
      %swap3A_236 = arith.constant 32 : index
      %swap3A_237 = tpu.vector_load %arg9[%swap3A_235, %swap3A_236] {strides = array<i32>} : memref<128x128xf32, #tpu.memory_space<vmem>>, vector<1x16xf32>,
      %swap3A_238 = vector.shape_cast %swap3A_237 : vector<1x16xf32> to vector<16xf32>
      %swap3A_239 = vector.shape_cast %get3A_87 : vector<16xf32> to vector<1x16xf32>
      tpu.vector_store %arg9[%swap3A_235, %swap3A_236], %swap3A_239 {strides = array<i32>} : memref<128x128xf32, #tpu.memory_space<vmem>>, vector<1x16xf32>,
      %swap3A_240 = arith.index_cast %scan3A_224 : i32 to index
      %swap3A_241 = arith.constant 48 : index
      %swap3A_242 = tpu.vector_load %arg9[%swap3A_240, %swap3A_241] {strides = array<i32>} : memref<128x128xf32, #tpu.memory_space<vmem>>, vector<1x16xf32>,
      %swap3A_243 = vector.shape_cast %swap3A_242 : vector<1x16xf32> to vector<16xf32>
      %swap3A_244 = vector.shape_cast %get3A_92 : vector<16xf32> to vector<1x16xf32>
      tpu.vector_store %arg9[%swap3A_240, %swap3A_241], %swap3A_244 {strides = array<i32>} : memref<128x128xf32, #tpu.memory_space<vmem>>, vector<1x16xf32>,
      %scan3A_245 = arith.constant 3 : i32
      %scan3A_246 = arith.addi %scan3A_181, %scan3A_245 : i32
      %swap3A_247 = arith.index_cast %scan3A_246 : i32 to index
      %swap3A_248 = arith.constant 0 : index
      %swap3A_249 = tpu.vector_load %arg9[%swap3A_247, %swap3A_248] {strides = array<i32>} : memref<128x128xf32, #tpu.memory_space<vmem>>, vector<1x16xf32>,
      %swap3A_250 = vector.shape_cast %swap3A_249 : vector<1x16xf32> to vector<16xf32>
      %swap3A_251 = vector.shape_cast %get3A_77 : vector<16xf32> to vector<1x16xf32>
      tpu.vector_store %arg9[%swap3A_247, %swap3A_248], %swap3A_251 {strides = array<i32>} : memref<128x128xf32, #tpu.memory_space<vmem>>, vector<1x16xf32>,
      %swap3A_252 = arith.index_cast %scan3A_246 : i32 to index
      %swap3A_253 = arith.constant 16 : index
      %swap3A_254 = tpu.vector_load %arg9[%swap3A_252, %swap3A_253] {strides = array<i32>} : memref<128x128xf32, #tpu.memory_space<vmem>>, vector<1x16xf32>,
      %swap3A_255 = vector.shape_cast %swap3A_254 : vector<1x16xf32> to vector<16xf32>
      %swap3A_256 = vector.shape_cast %get3A_82 : vector<16xf32> to vector<1x16xf32>
      tpu.vector_store %arg9[%swap3A_252, %swap3A_253], %swap3A_256 {strides = array<i32>} : memref<128x128xf32, #tpu.memory_space<vmem>>, vector<1x16xf32>,
      %swap3A_257 = arith.index_cast %scan3A_246 : i32 to index
      %swap3A_258 = arith.constant 32 : index
      %swap3A_259 = tpu.vector_load %arg9[%swap3A_257, %swap3A_258] {strides = array<i32>} : memref<128x128xf32, #tpu.memory_space<vmem>>, vector<1x16xf32>,
      %swap3A_260 = vector.shape_cast %swap3A_259 : vector<1x16xf32> to vector<16xf32>
      %swap3A_261 = vector.shape_cast %get3A_87 : vector<16xf32> to vector<1x16xf32>
      tpu.vector_store %arg9[%swap3A_257, %swap3A_258], %swap3A_261 {strides = array<i32>} : memref<128x128xf32, #tpu.memory_space<vmem>>, vector<1x16xf32>,
      %swap3A_262 = arith.index_cast %scan3A_246 : i32 to index
      %swap3A_263 = arith.constant 48 : index
      %swap3A_264 = tpu.vector_load %arg9[%swap3A_262, %swap3A_263] {strides = array<i32>} : memref<128x128xf32, #tpu.memory_space<vmem>>, vector<1x16xf32>,
      %swap3A_265 = vector.shape_cast %swap3A_264 : vector<1x16xf32> to vector<16xf32>
      %swap3A_266 = vector.shape_cast %get3A_92 : vector<16xf32> to vector<1x16xf32>
      tpu.vector_store %arg9[%swap3A_262, %swap3A_263], %swap3A_266 {strides = array<i32>} : memref<128x128xf32, #tpu.memory_space<vmem>>, vector<1x16xf32>,
    }
    %scan3A_98 = arith.constant 128 : i32
    %dma_start3A_99 = arith.constant 0 : i32
    %dma_start3A_100 = arith.constant 256 : i32
    %dma_start3A_101 = tpu.memref_slice %arg6[%dma_start3A_99, %dma_start3A_100] : memref<50x512xi32, #tpu.memory_space<vmem>> -> memref<1x128xi32, #tpu.memory_space<vmem>>
    %dma_start3A_102 = tpu.memref_squeeze %dma_start3A_101 : memref<1x128xi32, #tpu.memory_space<vmem>> -> memref<128xi32, #tpu.memory_space<vmem>>
    %dma_start3A_103 = arith.constant 0 : i32
    %dma_start3A_104 = arith.constant 0 : i32
    %dma_start3A_105 = tpu.memref_slice %arg3[%dma_start3A_103, %dma_start3A_104] : memref<1000000x128xf32, #tpu.memory_space<hbm>> -> memref<1000000x128xf32, #tpu.memory_space<hbm>>
    tpu.enqueue_indirect_dma source(%dma_start3A_105 : memref<1000000x128xf32, #tpu.memory_space<hbm>>) target(%arg9 : memref<128x128xf32, #tpu.memory_space<vmem>>) offsets(%dma_start3A_102 : memref<128xi32, #tpu.memory_space<vmem>>) semaphore(%arg15 : memref<!tpu.dma_semaphore, #tpu.memory_space<semaphore_mem>>) {add = true}
    %get3A_106 = arith.constant 0 : i32
    %get3A_107 = arith.index_cast %get3A_106 : i32 to index
    %get3A_108 = arith.constant 0 : index
    %get3A_109 = tpu.vector_load %arg11[%get3A_107, %get3A_108] {strides = array<i32>} : memref<50x64xf32, #tpu.memory_space<vmem>>, vector<1x16xf32>,
    %get3A_110 = vector.shape_cast %get3A_109 : vector<1x16xf32> to vector<16xf32>
    %get3A_111 = arith.constant 0 : i32
    %get3A_112 = arith.index_cast %get3A_111 : i32 to index
    %get3A_113 = arith.constant 16 : index
    %get3A_114 = tpu.vector_load %arg11[%get3A_112, %get3A_113] {strides = array<i32>} : memref<50x64xf32, #tpu.memory_space<vmem>>, vector<1x16xf32>,
    %get3A_115 = vector.shape_cast %get3A_114 : vector<1x16xf32> to vector<16xf32>
    %get3A_116 = arith.constant 0 : i32
    %get3A_117 = arith.index_cast %get3A_116 : i32 to index
    %get3A_118 = arith.constant 32 : index
    %get3A_119 = tpu.vector_load %arg11[%get3A_117, %get3A_118] {strides = array<i32>} : memref<50x64xf32, #tpu.memory_space<vmem>>, vector<1x16xf32>,
    %get3A_120 = vector.shape_cast %get3A_119 : vector<1x16xf32> to vector<16xf32>
    %get3A_121 = arith.constant 0 : i32
    %get3A_122 = arith.index_cast %get3A_121 : i32 to index
    %get3A_123 = arith.constant 48 : index
    %get3A_124 = tpu.vector_load %arg11[%get3A_122, %get3A_123] {strides = array<i32>} : memref<50x64xf32, #tpu.memory_space<vmem>>, vector<1x16xf32>,
    %get3A_125 = vector.shape_cast %get3A_124 : vector<1x16xf32> to vector<16xf32>
    %scan3A_126 = arith.constant 0 : i32
    %scan3A_127 = arith.constant 0 : i32
    %scan3A_128 = arith.constant 128 : i32
    %scan3A_129 = arith.addi %scan3A_127, %scan3A_128 : i32
    %scan3A_130 = arith.constant 4 : i32
    scf.for %scan3A_181 = %scan3A_127 to %scan3A_129 step %scan3A_130  : i32 {
      %swap3A = arith.index_cast %scan3A_181 : i32 to index
      %swap3A_182 = arith.constant 0 : index
      %swap3A_183 = tpu.vector_load %arg10[%swap3A, %swap3A_182] {strides = array<i32>} : memref<128x128xf32, #tpu.memory_space<vmem>>, vector<1x16xf32>,
      %swap3A_184 = vector.shape_cast %swap3A_183 : vector<1x16xf32> to vector<16xf32>
      %swap3A_185 = vector.shape_cast %get3A_110 : vector<16xf32> to vector<1x16xf32>
      tpu.vector_store %arg10[%swap3A, %swap3A_182], %swap3A_185 {strides = array<i32>} : memref<128x128xf32, #tpu.memory_space<vmem>>, vector<1x16xf32>,
      %swap3A_186 = arith.index_cast %scan3A_181 : i32 to index
      %swap3A_187 = arith.constant 16 : index
      %swap3A_188 = tpu.vector_load %arg10[%swap3A_186, %swap3A_187] {strides = array<i32>} : memref<128x128xf32, #tpu.memory_space<vmem>>, vector<1x16xf32>,
      %swap3A_189 = vector.shape_cast %swap3A_188 : vector<1x16xf32> to vector<16xf32>
      %swap3A_190 = vector.shape_cast %get3A_115 : vector<16xf32> to vector<1x16xf32>
      tpu.vector_store %arg10[%swap3A_186, %swap3A_187], %swap3A_190 {strides = array<i32>} : memref<128x128xf32, #tpu.memory_space<vmem>>, vector<1x16xf32>,
      %swap3A_191 = arith.index_cast %scan3A_181 : i32 to index
      %swap3A_192 = arith.constant 32 : index
      %swap3A_193 = tpu.vector_load %arg10[%swap3A_191, %swap3A_192] {strides = array<i32>} : memref<128x128xf32, #tpu.memory_space<vmem>>, vector<1x16xf32>,
      %swap3A_194 = vector.shape_cast %swap3A_193 : vector<1x16xf32> to vector<16xf32>
      %swap3A_195 = vector.shape_cast %get3A_120 : vector<16xf32> to vector<1x16xf32>
      tpu.vector_store %arg10[%swap3A_191, %swap3A_192], %swap3A_195 {strides = array<i32>} : memref<128x128xf32, #tpu.memory_space<vmem>>, vector<1x16xf32>,
      %swap3A_196 = arith.index_cast %scan3A_181 : i32 to index
      %swap3A_197 = arith.constant 48 : index
      %swap3A_198 = tpu.vector_load %arg10[%swap3A_196, %swap3A_197] {strides = array<i32>} : memref<128x128xf32, #tpu.memory_space<vmem>>, vector<1x16xf32>,
      %swap3A_199 = vector.shape_cast %swap3A_198 : vector<1x16xf32> to vector<16xf32>
      %swap3A_200 = vector.shape_cast %get3A_125 : vector<16xf32> to vector<1x16xf32>
      tpu.vector_store %arg10[%swap3A_196, %swap3A_197], %swap3A_200 {strides = array<i32>} : memref<128x128xf32, #tpu.memory_space<vmem>>, vector<1x16xf32>,
      %scan3A_201 = arith.constant 1 : i32
      %scan3A_202 = arith.addi %scan3A_181, %scan3A_201 : i32
      %swap3A_203 = arith.index_cast %scan3A_202 : i32 to index
      %swap3A_204 = arith.constant 0 : index
      %swap3A_205 = tpu.vector_load %arg10[%swap3A_203, %swap3A_204] {strides = array<i32>} : memref<128x128xf32, #tpu.memory_space<vmem>>, vector<1x16xf32>,
      %swap3A_206 = vector.shape_cast %swap3A_205 : vector<1x16xf32> to vector<16xf32>
      %swap3A_207 = vector.shape_cast %get3A_110 : vector<16xf32> to vector<1x16xf32>
      tpu.vector_store %arg10[%swap3A_203, %swap3A_204], %swap3A_207 {strides = array<i32>} : memref<128x128xf32, #tpu.memory_space<vmem>>, vector<1x16xf32>,
      %swap3A_208 = arith.index_cast %scan3A_202 : i32 to index
      %swap3A_209 = arith.constant 16 : index
      %swap3A_210 = tpu.vector_load %arg10[%swap3A_208, %swap3A_209] {strides = array<i32>} : memref<128x128xf32, #tpu.memory_space<vmem>>, vector<1x16xf32>,
      %swap3A_211 = vector.shape_cast %swap3A_210 : vector<1x16xf32> to vector<16xf32>
      %swap3A_212 = vector.shape_cast %get3A_115 : vector<16xf32> to vector<1x16xf32>
      tpu.vector_store %arg10[%swap3A_208, %swap3A_209], %swap3A_212 {strides = array<i32>} : memref<128x128xf32, #tpu.memory_space<vmem>>, vector<1x16xf32>,
      %swap3A_213 = arith.index_cast %scan3A_202 : i32 to index
      %swap3A_214 = arith.constant 32 : index
      %swap3A_215 = tpu.vector_load %arg10[%swap3A_213, %swap3A_214] {strides = array<i32>} : memref<128x128xf32, #tpu.memory_space<vmem>>, vector<1x16xf32>,
      %swap3A_216 = vector.shape_cast %swap3A_215 : vector<1x16xf32> to vector<16xf32>
      %swap3A_217 = vector.shape_cast %get3A_120 : vector<16xf32> to vector<1x16xf32>
      tpu.vector_store %arg10[%swap3A_213, %swap3A_214], %swap3A_217 {strides = array<i32>} : memref<128x128xf32, #tpu.memory_space<vmem>>, vector<1x16xf32>,
      %swap3A_218 = arith.index_cast %scan3A_202 : i32 to index
      %swap3A_219 = arith.constant 48 : index
      %swap3A_220 = tpu.vector_load %arg10[%swap3A_218, %swap3A_219] {strides = array<i32>} : memref<128x128xf32, #tpu.memory_space<vmem>>, vector<1x16xf32>,
      %swap3A_221 = vector.shape_cast %swap3A_220 : vector<1x16xf32> to vector<16xf32>
      %swap3A_222 = vector.shape_cast %get3A_125 : vector<16xf32> to vector<1x16xf32>
      tpu.vector_store %arg10[%swap3A_218, %swap3A_219], %swap3A_222 {strides = array<i32>} : memref<128x128xf32, #tpu.memory_space<vmem>>, vector<1x16xf32>,
      %scan3A_223 = arith.constant 2 : i32
      %scan3A_224 = arith.addi %scan3A_181, %scan3A_223 : i32
      %swap3A_225 = arith.index_cast %scan3A_224 : i32 to index
      %swap3A_226 = arith.constant 0 : index
      %swap3A_227 = tpu.vector_load %arg10[%swap3A_225, %swap3A_226] {strides = array<i32>} : memref<128x128xf32, #tpu.memory_space<vmem>>, vector<1x16xf32>,
      %swap3A_228 = vector.shape_cast %swap3A_227 : vector<1x16xf32> to vector<16xf32>
      %swap3A_229 = vector.shape_cast %get3A_110 : vector<16xf32> to vector<1x16xf32>
      tpu.vector_store %arg10[%swap3A_225, %swap3A_226], %swap3A_229 {strides = array<i32>} : memref<128x128xf32, #tpu.memory_space<vmem>>, vector<1x16xf32>,
      %swap3A_230 = arith.index_cast %scan3A_224 : i32 to index
      %swap3A_231 = arith.constant 16 : index
      %swap3A_232 = tpu.vector_load %arg10[%swap3A_230, %swap3A_231] {strides = array<i32>} : memref<128x128xf32, #tpu.memory_space<vmem>>, vector<1x16xf32>,
      %swap3A_233 = vector.shape_cast %swap3A_232 : vector<1x16xf32> to vector<16xf32>
      %swap3A_234 = vector.shape_cast %get3A_115 : vector<16xf32> to vector<1x16xf32>
      tpu.vector_store %arg10[%swap3A_230, %swap3A_231], %swap3A_234 {strides = array<i32>} : memref<128x128xf32, #tpu.memory_space<vmem>>, vector<1x16xf32>,
      %swap3A_235 = arith.index_cast %scan3A_224 : i32 to index
      %swap3A_236 = arith.constant 32 : index
      %swap3A_237 = tpu.vector_load %arg10[%swap3A_235, %swap3A_236] {strides = array<i32>} : memref<128x128xf32, #tpu.memory_space<vmem>>, vector<1x16xf32>,
      %swap3A_238 = vector.shape_cast %swap3A_237 : vector<1x16xf32> to vector<16xf32>
      %swap3A_239 = vector.shape_cast %get3A_120 : vector<16xf32> to vector<1x16xf32>
      tpu.vector_store %arg10[%swap3A_235, %swap3A_236], %swap3A_239 {strides = array<i32>} : memref<128x128xf32, #tpu.memory_space<vmem>>, vector<1x16xf32>,
      %swap3A_240 = arith.index_cast %scan3A_224 : i32 to index
      %swap3A_241 = arith.constant 48 : index
      %swap3A_242 = tpu.vector_load %arg10[%swap3A_240, %swap3A_241] {strides = array<i32>} : memref<128x128xf32, #tpu.memory_space<vmem>>, vector<1x16xf32>,
      %swap3A_243 = vector.shape_cast %swap3A_242 : vector<1x16xf32> to vector<16xf32>
      %swap3A_244 = vector.shape_cast %get3A_125 : vector<16xf32> to vector<1x16xf32>
      tpu.vector_store %arg10[%swap3A_240, %swap3A_241], %swap3A_244 {strides = array<i32>} : memref<128x128xf32, #tpu.memory_space<vmem>>, vector<1x16xf32>,
      %scan3A_245 = arith.constant 3 : i32
      %scan3A_246 = arith.addi %scan3A_181, %scan3A_245 : i32
      %swap3A_247 = arith.index_cast %scan3A_246 : i32 to index
      %swap3A_248 = arith.constant 0 : index
      %swap3A_249 = tpu.vector_load %arg10[%swap3A_247, %swap3A_248] {strides = array<i32>} : memref<128x128xf32, #tpu.memory_space<vmem>>, vector<1x16xf32>,
      %swap3A_250 = vector.shape_cast %swap3A_249 : vector<1x16xf32> to vector<16xf32>
      %swap3A_251 = vector.shape_cast %get3A_110 : vector<16xf32> to vector<1x16xf32>
      tpu.vector_store %arg10[%swap3A_247, %swap3A_248], %swap3A_251 {strides = array<i32>} : memref<128x128xf32, #tpu.memory_space<vmem>>, vector<1x16xf32>,
      %swap3A_252 = arith.index_cast %scan3A_246 : i32 to index
      %swap3A_253 = arith.constant 16 : index
      %swap3A_254 = tpu.vector_load %arg10[%swap3A_252, %swap3A_253] {strides = array<i32>} : memref<128x128xf32, #tpu.memory_space<vmem>>, vector<1x16xf32>,
      %swap3A_255 = vector.shape_cast %swap3A_254 : vector<1x16xf32> to vector<16xf32>
      %swap3A_256 = vector.shape_cast %get3A_115 : vector<16xf32> to vector<1x16xf32>
      tpu.vector_store %arg10[%swap3A_252, %swap3A_253], %swap3A_256 {strides = array<i32>} : memref<128x128xf32, #tpu.memory_space<vmem>>, vector<1x16xf32>,
      %swap3A_257 = arith.index_cast %scan3A_246 : i32 to index
      %swap3A_258 = arith.constant 32 : index
      %swap3A_259 = tpu.vector_load %arg10[%swap3A_257, %swap3A_258] {strides = array<i32>} : memref<128x128xf32, #tpu.memory_space<vmem>>, vector<1x16xf32>,
      %swap3A_260 = vector.shape_cast %swap3A_259 : vector<1x16xf32> to vector<16xf32>
      %swap3A_261 = vector.shape_cast %get3A_120 : vector<16xf32> to vector<1x16xf32>
      tpu.vector_store %arg10[%swap3A_257, %swap3A_258], %swap3A_261 {strides = array<i32>} : memref<128x128xf32, #tpu.memory_space<vmem>>, vector<1x16xf32>,
      %swap3A_262 = arith.index_cast %scan3A_246 : i32 to index
      %swap3A_263 = arith.constant 48 : index
      %swap3A_264 = tpu.vector_load %arg10[%swap3A_262, %swap3A_263] {strides = array<i32>} : memref<128x128xf32, #tpu.memory_space<vmem>>, vector<1x16xf32>,
      %swap3A_265 = vector.shape_cast %swap3A_264 : vector<1x16xf32> to vector<16xf32>
      %swap3A_266 = vector.shape_cast %get3A_125 : vector<16xf32> to vector<1x16xf32>
      tpu.vector_store %arg10[%swap3A_262, %swap3A_263], %swap3A_266 {strides = array<i32>} : memref<128x128xf32, #tpu.memory_space<vmem>>, vector<1x16xf32>,
    }
    %scan3A_131 = arith.constant 128 : i32
    %dma_start3A_132 = arith.constant 0 : i32
    %dma_start3A_133 = arith.constant 384 : i32
    %dma_start3A_134 = tpu.memref_slice %arg6[%dma_start3A_132, %dma_start3A_133] : memref<50x512xi32, #tpu.memory_space<vmem>> -> memref<1x128xi32, #tpu.memory_space<vmem>>
    %dma_start3A_135 = tpu.memref_squeeze %dma_start3A_134 : memref<1x128xi32, #tpu.memory_space<vmem>> -> memref<128xi32, #tpu.memory_space<vmem>>
    %dma_start3A_136 = arith.constant 0 : i32
    %dma_start3A_137 = arith.constant 0 : i32
    %dma_start3A_138 = tpu.memref_slice %arg3[%dma_start3A_136, %dma_start3A_137] : memref<1000000x128xf32, #tpu.memory_space<hbm>> -> memref<1000000x128xf32, #tpu.memory_space<hbm>>
    tpu.enqueue_indirect_dma source(%dma_start3A_138 : memref<1000000x128xf32, #tpu.memory_space<hbm>>) target(%arg10 : memref<128x128xf32, #tpu.memory_space<vmem>>) offsets(%dma_start3A_135 : memref<128xi32, #tpu.memory_space<vmem>>) semaphore(%arg16 : memref<!tpu.dma_semaphore, #tpu.memory_space<semaphore_mem>>) {add = true}
    %scan3A_139 = arith.constant 0 : i32
    %scan3A_140 = arith.constant 0 : i32
    %scan3A_141 = arith.constant 50 : i32
    %scan3A_142 = arith.addi %scan3A_140, %scan3A_141 : i32
    %scan3A_143 = arith.constant 1 : i32
    scf.for %scan3A_181 = %scan3A_140 to %scan3A_142 step %scan3A_143  : i32 {
      %dma_wait3A_182 = arith.constant 0 : i32
      %dma_wait3A_183 = tpu.memref_slice %arg6[%scan3A_181, %dma_wait3A_182] : memref<50x512xi32, #tpu.memory_space<vmem>> -> memref<1x128xi32, #tpu.memory_space<vmem>>
      %dma_wait3A_184 = tpu.memref_squeeze %dma_wait3A_183 : memref<1x128xi32, #tpu.memory_space<vmem>> -> memref<128xi32, #tpu.memory_space<vmem>>
      %dma_wait3A_185 = arith.constant 0 : i32
      %dma_wait3A_186 = arith.constant 0 : i32
      %dma_wait3A_187 = tpu.memref_slice %arg3[%dma_wait3A_185, %dma_wait3A_186] : memref<1000000x128xf32, #tpu.memory_space<hbm>> -> memref<1000000x128xf32, #tpu.memory_space<hbm>>
      tpu.wait_indirect_dma semaphore(%arg13 : memref<!tpu.dma_semaphore, #tpu.memory_space<semaphore_mem>>) src(%dma_wait3A_187 : memref<1000000x128xf32, #tpu.memory_space<hbm>>) dst(%arg7 : memref<128x128xf32, #tpu.memory_space<vmem>>)
      %add3A_188 = arith.constant 0 : i32
      %add3A_189 = arith.addi %mul3A_2, %add3A_188 : i32
      %dma_start3A_190 = arith.constant 0 : i32
      %dma_start3A_191 = tpu.memref_slice %arg5[%scan3A_181, %add3A_189, %dma_start3A_190] : memref<50x16384x128xf32, #tpu.memory_space<hbm>> -> memref<1x128x128xf32, #tpu.memory_space<hbm>>
      %dma_start3A_192 = tpu.memref_squeeze %dma_start3A_191 : memref<1x128x128xf32, #tpu.memory_space<hbm>> -> memref<128x128xf32, #tpu.memory_space<hbm>>
      %dma_start3A_193 = arith.constant 0 : i32
      %dma_start3A_194 = tpu.memref_slice %arg5[%scan3A_181, %add3A_189, %dma_start3A_193] : memref<50x16384x128xf32, #tpu.memory_space<hbm>> -> memref<1x128x128xf32, #tpu.memory_space<hbm>>
      %dma_start3A_195 = tpu.memref_squeeze %dma_start3A_194 : memref<1x128x128xf32, #tpu.memory_space<hbm>> -> memref<128x128xf32, #tpu.memory_space<hbm>>
      tpu.enqueue_dma source(%arg7 : memref<128x128xf32, #tpu.memory_space<vmem>>) target(%dma_start3A_195 : memref<128x128xf32, #tpu.memory_space<hbm>>) target_semaphore(%arg17 : memref<!tpu.dma_semaphore, #tpu.memory_space<semaphore_mem>>)
      %lt3A = arith.constant 49 : i32
      %lt3A_196 = arith.cmpi slt, %scan3A_181, %lt3A : i32
      %convert_element_type3A = arith.extui %lt3A_196 : i1 to i32
      %cond3A = arith.constant 0 : i32
      %cond3A_197 = arith.cmpi ne, %convert_element_type3A, %cond3A : i32
      scf.if %cond3A_197 {
        %dma_wait3A_255 = arith.constant 0 : i32
        %dma_wait3A_256 = tpu.memref_slice %arg5[%scan3A_181, %add3A_189, %dma_wait3A_255] : memref<50x16384x128xf32, #tpu.memory_space<hbm>> -> memref<1x128x128xf32, #tpu.memory_space<hbm>>
        %dma_wait3A_257 = tpu.memref_squeeze %dma_wait3A_256 : memref<1x128x128xf32, #tpu.memory_space<hbm>> -> memref<128x128xf32, #tpu.memory_space<hbm>>
        %dma_wait3A_258 = arith.constant 0 : i32
        %dma_wait3A_259 = tpu.memref_slice %arg5[%scan3A_181, %add3A_189, %dma_wait3A_258] : memref<50x16384x128xf32, #tpu.memory_space<hbm>> -> memref<1x128x128xf32, #tpu.memory_space<hbm>>
        %dma_wait3A_260 = tpu.memref_squeeze %dma_wait3A_259 : memref<1x128x128xf32, #tpu.memory_space<hbm>> -> memref<128x128xf32, #tpu.memory_space<hbm>>
        tpu.wait_dma2 semaphore(%arg17 : memref<!tpu.dma_semaphore, #tpu.memory_space<semaphore_mem>>) src(%arg7 : memref<128x128xf32, #tpu.memory_space<vmem>>) dst(%dma_wait3A_260 : memref<128x128xf32, #tpu.memory_space<hbm>>)
        %add3A_261 = arith.constant 1 : i32
        %add3A_262 = arith.addi %scan3A_181, %add3A_261 : i32
        %get3A_263 = arith.index_cast %add3A_262 : i32 to index
        %get3A_264 = arith.constant 0 : index
        %get3A_265 = tpu.vector_load %arg11[%get3A_263, %get3A_264] {strides = array<i32>} : memref<50x64xf32, #tpu.memory_space<vmem>>, vector<1x16xf32>,
        %get3A_266 = vector.shape_cast %get3A_265 : vector<1x16xf32> to vector<16xf32>
        %get3A_267 = arith.index_cast %add3A_262 : i32 to index
        %get3A_268 = arith.constant 16 : index
        %get3A_269 = tpu.vector_load %arg11[%get3A_267, %get3A_268] {strides = array<i32>} : memref<50x64xf32, #tpu.memory_space<vmem>>, vector<1x16xf32>,
        %get3A_270 = vector.shape_cast %get3A_269 : vector<1x16xf32> to vector<16xf32>
        %get3A_271 = arith.index_cast %add3A_262 : i32 to index
        %get3A_272 = arith.constant 32 : index
        %get3A_273 = tpu.vector_load %arg11[%get3A_271, %get3A_272] {strides = array<i32>} : memref<50x64xf32, #tpu.memory_space<vmem>>, vector<1x16xf32>,
        %get3A_274 = vector.shape_cast %get3A_273 : vector<1x16xf32> to vector<16xf32>
        %get3A_275 = arith.index_cast %add3A_262 : i32 to index
        %get3A_276 = arith.constant 48 : index
        %get3A_277 = tpu.vector_load %arg11[%get3A_275, %get3A_276] {strides = array<i32>} : memref<50x64xf32, #tpu.memory_space<vmem>>, vector<1x16xf32>,
        %get3A_278 = vector.shape_cast %get3A_277 : vector<1x16xf32> to vector<16xf32>
        %scan3A_279 = arith.constant 0 : i32
        %scan3A_280 = arith.constant 0 : i32
        %scan3A_281 = arith.constant 128 : i32
        %scan3A_282 = arith.addi %scan3A_280, %scan3A_281 : i32
        %scan3A_283 = arith.constant 4 : i32
        scf.for %scan3A_293 = %scan3A_280 to %scan3A_282 step %scan3A_283  : i32 {
          %swap3A = arith.index_cast %scan3A_293 : i32 to index
          %swap3A_294 = arith.constant 0 : index
          %swap3A_295 = tpu.vector_load %arg7[%swap3A, %swap3A_294] {strides = array<i32>} : memref<128x128xf32, #tpu.memory_space<vmem>>, vector<1x16xf32>,
          %swap3A_296 = vector.shape_cast %swap3A_295 : vector<1x16xf32> to vector<16xf32>
          %swap3A_297 = vector.shape_cast %get3A_266 : vector<16xf32> to vector<1x16xf32>
          tpu.vector_store %arg7[%swap3A, %swap3A_294], %swap3A_297 {strides = array<i32>} : memref<128x128xf32, #tpu.memory_space<vmem>>, vector<1x16xf32>,
          %swap3A_298 = arith.index_cast %scan3A_293 : i32 to index
          %swap3A_299 = arith.constant 16 : index
          %swap3A_300 = tpu.vector_load %arg7[%swap3A_298, %swap3A_299] {strides = array<i32>} : memref<128x128xf32, #tpu.memory_space<vmem>>, vector<1x16xf32>,
          %swap3A_301 = vector.shape_cast %swap3A_300 : vector<1x16xf32> to vector<16xf32>
          %swap3A_302 = vector.shape_cast %get3A_270 : vector<16xf32> to vector<1x16xf32>
          tpu.vector_store %arg7[%swap3A_298, %swap3A_299], %swap3A_302 {strides = array<i32>} : memref<128x128xf32, #tpu.memory_space<vmem>>, vector<1x16xf32>,
          %swap3A_303 = arith.index_cast %scan3A_293 : i32 to index
          %swap3A_304 = arith.constant 32 : index
          %swap3A_305 = tpu.vector_load %arg7[%swap3A_303, %swap3A_304] {strides = array<i32>} : memref<128x128xf32, #tpu.memory_space<vmem>>, vector<1x16xf32>,
          %swap3A_306 = vector.shape_cast %swap3A_305 : vector<1x16xf32> to vector<16xf32>
          %swap3A_307 = vector.shape_cast %get3A_274 : vector<16xf32> to vector<1x16xf32>
          tpu.vector_store %arg7[%swap3A_303, %swap3A_304], %swap3A_307 {strides = array<i32>} : memref<128x128xf32, #tpu.memory_space<vmem>>, vector<1x16xf32>,
          %swap3A_308 = arith.index_cast %scan3A_293 : i32 to index
          %swap3A_309 = arith.constant 48 : index
          %swap3A_310 = tpu.vector_load %arg7[%swap3A_308, %swap3A_309] {strides = array<i32>} : memref<128x128xf32, #tpu.memory_space<vmem>>, vector<1x16xf32>,
          %swap3A_311 = vector.shape_cast %swap3A_310 : vector<1x16xf32> to vector<16xf32>
          %swap3A_312 = vector.shape_cast %get3A_278 : vector<16xf32> to vector<1x16xf32>
          tpu.vector_store %arg7[%swap3A_308, %swap3A_309], %swap3A_312 {strides = array<i32>} : memref<128x128xf32, #tpu.memory_space<vmem>>, vector<1x16xf32>,
          %scan3A_313 = arith.constant 1 : i32
          %scan3A_314 = arith.addi %scan3A_293, %scan3A_313 : i32
          %swap3A_315 = arith.index_cast %scan3A_314 : i32 to index
          %swap3A_316 = arith.constant 0 : index
          %swap3A_317 = tpu.vector_load %arg7[%swap3A_315, %swap3A_316] {strides = array<i32>} : memref<128x128xf32, #tpu.memory_space<vmem>>, vector<1x16xf32>,
          %swap3A_318 = vector.shape_cast %swap3A_317 : vector<1x16xf32> to vector<16xf32>
          %swap3A_319 = vector.shape_cast %get3A_266 : vector<16xf32> to vector<1x16xf32>
          tpu.vector_store %arg7[%swap3A_315, %swap3A_316], %swap3A_319 {strides = array<i32>} : memref<128x128xf32, #tpu.memory_space<vmem>>, vector<1x16xf32>,
          %swap3A_320 = arith.index_cast %scan3A_314 : i32 to index
          %swap3A_321 = arith.constant 16 : index
          %swap3A_322 = tpu.vector_load %arg7[%swap3A_320, %swap3A_321] {strides = array<i32>} : memref<128x128xf32, #tpu.memory_space<vmem>>, vector<1x16xf32>,
          %swap3A_323 = vector.shape_cast %swap3A_322 : vector<1x16xf32> to vector<16xf32>
          %swap3A_324 = vector.shape_cast %get3A_270 : vector<16xf32> to vector<1x16xf32>
          tpu.vector_store %arg7[%swap3A_320, %swap3A_321], %swap3A_324 {strides = array<i32>} : memref<128x128xf32, #tpu.memory_space<vmem>>, vector<1x16xf32>,
          %swap3A_325 = arith.index_cast %scan3A_314 : i32 to index
          %swap3A_326 = arith.constant 32 : index
          %swap3A_327 = tpu.vector_load %arg7[%swap3A_325, %swap3A_326] {strides = array<i32>} : memref<128x128xf32, #tpu.memory_space<vmem>>, vector<1x16xf32>,
          %swap3A_328 = vector.shape_cast %swap3A_327 : vector<1x16xf32> to vector<16xf32>
          %swap3A_329 = vector.shape_cast %get3A_274 : vector<16xf32> to vector<1x16xf32>
          tpu.vector_store %arg7[%swap3A_325, %swap3A_326], %swap3A_329 {strides = array<i32>} : memref<128x128xf32, #tpu.memory_space<vmem>>, vector<1x16xf32>,
          %swap3A_330 = arith.index_cast %scan3A_314 : i32 to index
          %swap3A_331 = arith.constant 48 : index
          %swap3A_332 = tpu.vector_load %arg7[%swap3A_330, %swap3A_331] {strides = array<i32>} : memref<128x128xf32, #tpu.memory_space<vmem>>, vector<1x16xf32>,
          %swap3A_333 = vector.shape_cast %swap3A_332 : vector<1x16xf32> to vector<16xf32>
          %swap3A_334 = vector.shape_cast %get3A_278 : vector<16xf32> to vector<1x16xf32>
          tpu.vector_store %arg7[%swap3A_330, %swap3A_331], %swap3A_334 {strides = array<i32>} : memref<128x128xf32, #tpu.memory_space<vmem>>, vector<1x16xf32>,
          %scan3A_335 = arith.constant 2 : i32
          %scan3A_336 = arith.addi %scan3A_293, %scan3A_335 : i32
          %swap3A_337 = arith.index_cast %scan3A_336 : i32 to index
          %swap3A_338 = arith.constant 0 : index
          %swap3A_339 = tpu.vector_load %arg7[%swap3A_337, %swap3A_338] {strides = array<i32>} : memref<128x128xf32, #tpu.memory_space<vmem>>, vector<1x16xf32>,
          %swap3A_340 = vector.shape_cast %swap3A_339 : vector<1x16xf32> to vector<16xf32>
          %swap3A_341 = vector.shape_cast %get3A_266 : vector<16xf32> to vector<1x16xf32>
          tpu.vector_store %arg7[%swap3A_337, %swap3A_338], %swap3A_341 {strides = array<i32>} : memref<128x128xf32, #tpu.memory_space<vmem>>, vector<1x16xf32>,
          %swap3A_342 = arith.index_cast %scan3A_336 : i32 to index
          %swap3A_343 = arith.constant 16 : index
          %swap3A_344 = tpu.vector_load %arg7[%swap3A_342, %swap3A_343] {strides = array<i32>} : memref<128x128xf32, #tpu.memory_space<vmem>>, vector<1x16xf32>,
          %swap3A_345 = vector.shape_cast %swap3A_344 : vector<1x16xf32> to vector<16xf32>
          %swap3A_346 = vector.shape_cast %get3A_270 : vector<16xf32> to vector<1x16xf32>
          tpu.vector_store %arg7[%swap3A_342, %swap3A_343], %swap3A_346 {strides = array<i32>} : memref<128x128xf32, #tpu.memory_space<vmem>>, vector<1x16xf32>,
          %swap3A_347 = arith.index_cast %scan3A_336 : i32 to index
          %swap3A_348 = arith.constant 32 : index
          %swap3A_349 = tpu.vector_load %arg7[%swap3A_347, %swap3A_348] {strides = array<i32>} : memref<128x128xf32, #tpu.memory_space<vmem>>, vector<1x16xf32>,
          %swap3A_350 = vector.shape_cast %swap3A_349 : vector<1x16xf32> to vector<16xf32>
          %swap3A_351 = vector.shape_cast %get3A_274 : vector<16xf32> to vector<1x16xf32>
          tpu.vector_store %arg7[%swap3A_347, %swap3A_348], %swap3A_351 {strides = array<i32>} : memref<128x128xf32, #tpu.memory_space<vmem>>, vector<1x16xf32>,
          %swap3A_352 = arith.index_cast %scan3A_336 : i32 to index
          %swap3A_353 = arith.constant 48 : index
          %swap3A_354 = tpu.vector_load %arg7[%swap3A_352, %swap3A_353] {strides = array<i32>} : memref<128x128xf32, #tpu.memory_space<vmem>>, vector<1x16xf32>,
          %swap3A_355 = vector.shape_cast %swap3A_354 : vector<1x16xf32> to vector<16xf32>
          %swap3A_356 = vector.shape_cast %get3A_278 : vector<16xf32> to vector<1x16xf32>
          tpu.vector_store %arg7[%swap3A_352, %swap3A_353], %swap3A_356 {strides = array<i32>} : memref<128x128xf32, #tpu.memory_space<vmem>>, vector<1x16xf32>,
          %scan3A_357 = arith.constant 3 : i32
          %scan3A_358 = arith.addi %scan3A_293, %scan3A_357 : i32
          %swap3A_359 = arith.index_cast %scan3A_358 : i32 to index
          %swap3A_360 = arith.constant 0 : index
          %swap3A_361 = tpu.vector_load %arg7[%swap3A_359, %swap3A_360] {strides = array<i32>} : memref<128x128xf32, #tpu.memory_space<vmem>>, vector<1x16xf32>,
          %swap3A_362 = vector.shape_cast %swap3A_361 : vector<1x16xf32> to vector<16xf32>
          %swap3A_363 = vector.shape_cast %get3A_266 : vector<16xf32> to vector<1x16xf32>
          tpu.vector_store %arg7[%swap3A_359, %swap3A_360], %swap3A_363 {strides = array<i32>} : memref<128x128xf32, #tpu.memory_space<vmem>>, vector<1x16xf32>,
          %swap3A_364 = arith.index_cast %scan3A_358 : i32 to index
          %swap3A_365 = arith.constant 16 : index
          %swap3A_366 = tpu.vector_load %arg7[%swap3A_364, %swap3A_365] {strides = array<i32>} : memref<128x128xf32, #tpu.memory_space<vmem>>, vector<1x16xf32>,
          %swap3A_367 = vector.shape_cast %swap3A_366 : vector<1x16xf32> to vector<16xf32>
          %swap3A_368 = vector.shape_cast %get3A_270 : vector<16xf32> to vector<1x16xf32>
          tpu.vector_store %arg7[%swap3A_364, %swap3A_365], %swap3A_368 {strides = array<i32>} : memref<128x128xf32, #tpu.memory_space<vmem>>, vector<1x16xf32>,
          %swap3A_369 = arith.index_cast %scan3A_358 : i32 to index
          %swap3A_370 = arith.constant 32 : index
          %swap3A_371 = tpu.vector_load %arg7[%swap3A_369, %swap3A_370] {strides = array<i32>} : memref<128x128xf32, #tpu.memory_space<vmem>>, vector<1x16xf32>,
          %swap3A_372 = vector.shape_cast %swap3A_371 : vector<1x16xf32> to vector<16xf32>
          %swap3A_373 = vector.shape_cast %get3A_274 : vector<16xf32> to vector<1x16xf32>
          tpu.vector_store %arg7[%swap3A_369, %swap3A_370], %swap3A_373 {strides = array<i32>} : memref<128x128xf32, #tpu.memory_space<vmem>>, vector<1x16xf32>,
          %swap3A_374 = arith.index_cast %scan3A_358 : i32 to index
          %swap3A_375 = arith.constant 48 : index
          %swap3A_376 = tpu.vector_load %arg7[%swap3A_374, %swap3A_375] {strides = array<i32>} : memref<128x128xf32, #tpu.memory_space<vmem>>, vector<1x16xf32>,
          %swap3A_377 = vector.shape_cast %swap3A_376 : vector<1x16xf32> to vector<16xf32>
          %swap3A_378 = vector.shape_cast %get3A_278 : vector<16xf32> to vector<1x16xf32>
          tpu.vector_store %arg7[%swap3A_374, %swap3A_375], %swap3A_378 {strides = array<i32>} : memref<128x128xf32, #tpu.memory_space<vmem>>, vector<1x16xf32>,
        }
        %scan3A_284 = arith.constant 128 : i32
        %add3A_285 = arith.constant 1 : i32
        %add3A_286 = arith.addi %scan3A_181, %add3A_285 : i32
        %dma_start3A_287 = arith.constant 0 : i32
        %dma_start3A_288 = tpu.memref_slice %arg6[%add3A_286, %dma_start3A_287] : memref<50x512xi32, #tpu.memory_space<vmem>> -> memref<1x128xi32, #tpu.memory_space<vmem>>
        %dma_start3A_289 = tpu.memref_squeeze %dma_start3A_288 : memref<1x128xi32, #tpu.memory_space<vmem>> -> memref<128xi32, #tpu.memory_space<vmem>>
        %dma_start3A_290 = arith.constant 0 : i32
        %dma_start3A_291 = arith.constant 0 : i32
        %dma_start3A_292 = tpu.memref_slice %arg3[%dma_start3A_290, %dma_start3A_291] : memref<1000000x128xf32, #tpu.memory_space<hbm>> -> memref<1000000x128xf32, #tpu.memory_space<hbm>>
        tpu.enqueue_indirect_dma source(%dma_start3A_292 : memref<1000000x128xf32, #tpu.memory_space<hbm>>) target(%arg7 : memref<128x128xf32, #tpu.memory_space<vmem>>) offsets(%dma_start3A_289 : memref<128xi32, #tpu.memory_space<vmem>>) semaphore(%arg13 : memref<!tpu.dma_semaphore, #tpu.memory_space<semaphore_mem>>) {add = true}
      } else {
      }
      %dma_wait3A_198 = arith.constant 128 : i32
      %dma_wait3A_199 = tpu.memref_slice %arg6[%scan3A_181, %dma_wait3A_198] : memref<50x512xi32, #tpu.memory_space<vmem>> -> memref<1x128xi32, #tpu.memory_space<vmem>>
      %dma_wait3A_200 = tpu.memref_squeeze %dma_wait3A_199 : memref<1x128xi32, #tpu.memory_space<vmem>> -> memref<128xi32, #tpu.memory_space<vmem>>
      %dma_wait3A_201 = arith.constant 0 : i32
      %dma_wait3A_202 = arith.constant 0 : i32
      %dma_wait3A_203 = tpu.memref_slice %arg3[%dma_wait3A_201, %dma_wait3A_202] : memref<1000000x128xf32, #tpu.memory_space<hbm>> -> memref<1000000x128xf32, #tpu.memory_space<hbm>>
      tpu.wait_indirect_dma semaphore(%arg14 : memref<!tpu.dma_semaphore, #tpu.memory_space<semaphore_mem>>) src(%dma_wait3A_203 : memref<1000000x128xf32, #tpu.memory_space<hbm>>) dst(%arg8 : memref<128x128xf32, #tpu.memory_space<vmem>>)
      %add3A_204 = arith.constant 128 : i32
      %add3A_205 = arith.addi %mul3A_2, %add3A_204 : i32
      %dma_start3A_206 = arith.constant 0 : i32
      %dma_start3A_207 = tpu.memref_slice %arg5[%scan3A_181, %add3A_205, %dma_start3A_206] : memref<50x16384x128xf32, #tpu.memory_space<hbm>> -> memref<1x128x128xf32, #tpu.memory_space<hbm>>
      %dma_start3A_208 = tpu.memref_squeeze %dma_start3A_207 : memref<1x128x128xf32, #tpu.memory_space<hbm>> -> memref<128x128xf32, #tpu.memory_space<hbm>>
      %dma_start3A_209 = arith.constant 0 : i32
      %dma_start3A_210 = tpu.memref_slice %arg5[%scan3A_181, %add3A_205, %dma_start3A_209] : memref<50x16384x128xf32, #tpu.memory_space<hbm>> -> memref<1x128x128xf32, #tpu.memory_space<hbm>>
      %dma_start3A_211 = tpu.memref_squeeze %dma_start3A_210 : memref<1x128x128xf32, #tpu.memory_space<hbm>> -> memref<128x128xf32, #tpu.memory_space<hbm>>
      tpu.enqueue_dma source(%arg8 : memref<128x128xf32, #tpu.memory_space<vmem>>) target(%dma_start3A_211 : memref<128x128xf32, #tpu.memory_space<hbm>>) target_semaphore(%arg18 : memref<!tpu.dma_semaphore, #tpu.memory_space<semaphore_mem>>)
      %lt3A_212 = arith.constant 49 : i32
      %lt3A_213 = arith.cmpi slt, %scan3A_181, %lt3A_212 : i32
      %convert_element_type3A_214 = arith.extui %lt3A_213 : i1 to i32
      %cond3A_215 = arith.constant 0 : i32
      %cond3A_216 = arith.cmpi ne, %convert_element_type3A_214, %cond3A_215 : i32
      scf.if %cond3A_216 {
        %dma_wait3A_255 = arith.constant 0 : i32
        %dma_wait3A_256 = tpu.memref_slice %arg5[%scan3A_181, %add3A_205, %dma_wait3A_255] : memref<50x16384x128xf32, #tpu.memory_space<hbm>> -> memref<1x128x128xf32, #tpu.memory_space<hbm>>
        %dma_wait3A_257 = tpu.memref_squeeze %dma_wait3A_256 : memref<1x128x128xf32, #tpu.memory_space<hbm>> -> memref<128x128xf32, #tpu.memory_space<hbm>>
        %dma_wait3A_258 = arith.constant 0 : i32
        %dma_wait3A_259 = tpu.memref_slice %arg5[%scan3A_181, %add3A_205, %dma_wait3A_258] : memref<50x16384x128xf32, #tpu.memory_space<hbm>> -> memref<1x128x128xf32, #tpu.memory_space<hbm>>
        %dma_wait3A_260 = tpu.memref_squeeze %dma_wait3A_259 : memref<1x128x128xf32, #tpu.memory_space<hbm>> -> memref<128x128xf32, #tpu.memory_space<hbm>>
        tpu.wait_dma2 semaphore(%arg18 : memref<!tpu.dma_semaphore, #tpu.memory_space<semaphore_mem>>) src(%arg8 : memref<128x128xf32, #tpu.memory_space<vmem>>) dst(%dma_wait3A_260 : memref<128x128xf32, #tpu.memory_space<hbm>>)
        %add3A_261 = arith.constant 1 : i32
        %add3A_262 = arith.addi %scan3A_181, %add3A_261 : i32
        %get3A_263 = arith.index_cast %add3A_262 : i32 to index
        %get3A_264 = arith.constant 0 : index
        %get3A_265 = tpu.vector_load %arg11[%get3A_263, %get3A_264] {strides = array<i32>} : memref<50x64xf32, #tpu.memory_space<vmem>>, vector<1x16xf32>,
        %get3A_266 = vector.shape_cast %get3A_265 : vector<1x16xf32> to vector<16xf32>
        %get3A_267 = arith.index_cast %add3A_262 : i32 to index
        %get3A_268 = arith.constant 16 : index
        %get3A_269 = tpu.vector_load %arg11[%get3A_267, %get3A_268] {strides = array<i32>} : memref<50x64xf32, #tpu.memory_space<vmem>>, vector<1x16xf32>,
        %get3A_270 = vector.shape_cast %get3A_269 : vector<1x16xf32> to vector<16xf32>
        %get3A_271 = arith.index_cast %add3A_262 : i32 to index
        %get3A_272 = arith.constant 32 : index
        %get3A_273 = tpu.vector_load %arg11[%get3A_271, %get3A_272] {strides = array<i32>} : memref<50x64xf32, #tpu.memory_space<vmem>>, vector<1x16xf32>,
        %get3A_274 = vector.shape_cast %get3A_273 : vector<1x16xf32> to vector<16xf32>
        %get3A_275 = arith.index_cast %add3A_262 : i32 to index
        %get3A_276 = arith.constant 48 : index
        %get3A_277 = tpu.vector_load %arg11[%get3A_275, %get3A_276] {strides = array<i32>} : memref<50x64xf32, #tpu.memory_space<vmem>>, vector<1x16xf32>,
        %get3A_278 = vector.shape_cast %get3A_277 : vector<1x16xf32> to vector<16xf32>
        %scan3A_279 = arith.constant 0 : i32
        %scan3A_280 = arith.constant 0 : i32
        %scan3A_281 = arith.constant 128 : i32
        %scan3A_282 = arith.addi %scan3A_280, %scan3A_281 : i32
        %scan3A_283 = arith.constant 4 : i32
        scf.for %scan3A_293 = %scan3A_280 to %scan3A_282 step %scan3A_283  : i32 {
          %swap3A = arith.index_cast %scan3A_293 : i32 to index
          %swap3A_294 = arith.constant 0 : index
          %swap3A_295 = tpu.vector_load %arg8[%swap3A, %swap3A_294] {strides = array<i32>} : memref<128x128xf32, #tpu.memory_space<vmem>>, vector<1x16xf32>,
          %swap3A_296 = vector.shape_cast %swap3A_295 : vector<1x16xf32> to vector<16xf32>
          %swap3A_297 = vector.shape_cast %get3A_266 : vector<16xf32> to vector<1x16xf32>
          tpu.vector_store %arg8[%swap3A, %swap3A_294], %swap3A_297 {strides = array<i32>} : memref<128x128xf32, #tpu.memory_space<vmem>>, vector<1x16xf32>,
          %swap3A_298 = arith.index_cast %scan3A_293 : i32 to index
          %swap3A_299 = arith.constant 16 : index
          %swap3A_300 = tpu.vector_load %arg8[%swap3A_298, %swap3A_299] {strides = array<i32>} : memref<128x128xf32, #tpu.memory_space<vmem>>, vector<1x16xf32>,
          %swap3A_301 = vector.shape_cast %swap3A_300 : vector<1x16xf32> to vector<16xf32>
          %swap3A_302 = vector.shape_cast %get3A_270 : vector<16xf32> to vector<1x16xf32>
          tpu.vector_store %arg8[%swap3A_298, %swap3A_299], %swap3A_302 {strides = array<i32>} : memref<128x128xf32, #tpu.memory_space<vmem>>, vector<1x16xf32>,
          %swap3A_303 = arith.index_cast %scan3A_293 : i32 to index
          %swap3A_304 = arith.constant 32 : index
          %swap3A_305 = tpu.vector_load %arg8[%swap3A_303, %swap3A_304] {strides = array<i32>} : memref<128x128xf32, #tpu.memory_space<vmem>>, vector<1x16xf32>,
          %swap3A_306 = vector.shape_cast %swap3A_305 : vector<1x16xf32> to vector<16xf32>
          %swap3A_307 = vector.shape_cast %get3A_274 : vector<16xf32> to vector<1x16xf32>
          tpu.vector_store %arg8[%swap3A_303, %swap3A_304], %swap3A_307 {strides = array<i32>} : memref<128x128xf32, #tpu.memory_space<vmem>>, vector<1x16xf32>,
          %swap3A_308 = arith.index_cast %scan3A_293 : i32 to index
          %swap3A_309 = arith.constant 48 : index
          %swap3A_310 = tpu.vector_load %arg8[%swap3A_308, %swap3A_309] {strides = array<i32>} : memref<128x128xf32, #tpu.memory_space<vmem>>, vector<1x16xf32>,
          %swap3A_311 = vector.shape_cast %swap3A_310 : vector<1x16xf32> to vector<16xf32>
          %swap3A_312 = vector.shape_cast %get3A_278 : vector<16xf32> to vector<1x16xf32>
          tpu.vector_store %arg8[%swap3A_308, %swap3A_309], %swap3A_312 {strides = array<i32>} : memref<128x128xf32, #tpu.memory_space<vmem>>, vector<1x16xf32>,
          %scan3A_313 = arith.constant 1 : i32
          %scan3A_314 = arith.addi %scan3A_293, %scan3A_313 : i32
          %swap3A_315 = arith.index_cast %scan3A_314 : i32 to index
          %swap3A_316 = arith.constant 0 : index
          %swap3A_317 = tpu.vector_load %arg8[%swap3A_315, %swap3A_316] {strides = array<i32>} : memref<128x128xf32, #tpu.memory_space<vmem>>, vector<1x16xf32>,
          %swap3A_318 = vector.shape_cast %swap3A_317 : vector<1x16xf32> to vector<16xf32>
          %swap3A_319 = vector.shape_cast %get3A_266 : vector<16xf32> to vector<1x16xf32>
          tpu.vector_store %arg8[%swap3A_315, %swap3A_316], %swap3A_319 {strides = array<i32>} : memref<128x128xf32, #tpu.memory_space<vmem>>, vector<1x16xf32>,
          %swap3A_320 = arith.index_cast %scan3A_314 : i32 to index
          %swap3A_321 = arith.constant 16 : index
          %swap3A_322 = tpu.vector_load %arg8[%swap3A_320, %swap3A_321] {strides = array<i32>} : memref<128x128xf32, #tpu.memory_space<vmem>>, vector<1x16xf32>,
          %swap3A_323 = vector.shape_cast %swap3A_322 : vector<1x16xf32> to vector<16xf32>
          %swap3A_324 = vector.shape_cast %get3A_270 : vector<16xf32> to vector<1x16xf32>
          tpu.vector_store %arg8[%swap3A_320, %swap3A_321], %swap3A_324 {strides = array<i32>} : memref<128x128xf32, #tpu.memory_space<vmem>>, vector<1x16xf32>,
          %swap3A_325 = arith.index_cast %scan3A_314 : i32 to index
          %swap3A_326 = arith.constant 32 : index
          %swap3A_327 = tpu.vector_load %arg8[%swap3A_325, %swap3A_326] {strides = array<i32>} : memref<128x128xf32, #tpu.memory_space<vmem>>, vector<1x16xf32>,
          %swap3A_328 = vector.shape_cast %swap3A_327 : vector<1x16xf32> to vector<16xf32>
          %swap3A_329 = vector.shape_cast %get3A_274 : vector<16xf32> to vector<1x16xf32>
          tpu.vector_store %arg8[%swap3A_325, %swap3A_326], %swap3A_329 {strides = array<i32>} : memref<128x128xf32, #tpu.memory_space<vmem>>, vector<1x16xf32>,
          %swap3A_330 = arith.index_cast %scan3A_314 : i32 to index
          %swap3A_331 = arith.constant 48 : index
          %swap3A_332 = tpu.vector_load %arg8[%swap3A_330, %swap3A_331] {strides = array<i32>} : memref<128x128xf32, #tpu.memory_space<vmem>>, vector<1x16xf32>,
          %swap3A_333 = vector.shape_cast %swap3A_332 : vector<1x16xf32> to vector<16xf32>
          %swap3A_334 = vector.shape_cast %get3A_278 : vector<16xf32> to vector<1x16xf32>
          tpu.vector_store %arg8[%swap3A_330, %swap3A_331], %swap3A_334 {strides = array<i32>} : memref<128x128xf32, #tpu.memory_space<vmem>>, vector<1x16xf32>,
          %scan3A_335 = arith.constant 2 : i32
          %scan3A_336 = arith.addi %scan3A_293, %scan3A_335 : i32
          %swap3A_337 = arith.index_cast %scan3A_336 : i32 to index
          %swap3A_338 = arith.constant 0 : index
          %swap3A_339 = tpu.vector_load %arg8[%swap3A_337, %swap3A_338] {strides = array<i32>} : memref<128x128xf32, #tpu.memory_space<vmem>>, vector<1x16xf32>,
          %swap3A_340 = vector.shape_cast %swap3A_339 : vector<1x16xf32> to vector<16xf32>
          %swap3A_341 = vector.shape_cast %get3A_266 : vector<16xf32> to vector<1x16xf32>
          tpu.vector_store %arg8[%swap3A_337, %swap3A_338], %swap3A_341 {strides = array<i32>} : memref<128x128xf32, #tpu.memory_space<vmem>>, vector<1x16xf32>,
          %swap3A_342 = arith.index_cast %scan3A_336 : i32 to index
          %swap3A_343 = arith.constant 16 : index
          %swap3A_344 = tpu.vector_load %arg8[%swap3A_342, %swap3A_343] {strides = array<i32>} : memref<128x128xf32, #tpu.memory_space<vmem>>, vector<1x16xf32>,
          %swap3A_345 = vector.shape_cast %swap3A_344 : vector<1x16xf32> to vector<16xf32>
          %swap3A_346 = vector.shape_cast %get3A_270 : vector<16xf32> to vector<1x16xf32>
          tpu.vector_store %arg8[%swap3A_342, %swap3A_343], %swap3A_346 {strides = array<i32>} : memref<128x128xf32, #tpu.memory_space<vmem>>, vector<1x16xf32>,
          %swap3A_347 = arith.index_cast %scan3A_336 : i32 to index
          %swap3A_348 = arith.constant 32 : index
          %swap3A_349 = tpu.vector_load %arg8[%swap3A_347, %swap3A_348] {strides = array<i32>} : memref<128x128xf32, #tpu.memory_space<vmem>>, vector<1x16xf32>,
          %swap3A_350 = vector.shape_cast %swap3A_349 : vector<1x16xf32> to vector<16xf32>
          %swap3A_351 = vector.shape_cast %get3A_274 : vector<16xf32> to vector<1x16xf32>
          tpu.vector_store %arg8[%swap3A_347, %swap3A_348], %swap3A_351 {strides = array<i32>} : memref<128x128xf32, #tpu.memory_space<vmem>>, vector<1x16xf32>,
          %swap3A_352 = arith.index_cast %scan3A_336 : i32 to index
          %swap3A_353 = arith.constant 48 : index
          %swap3A_354 = tpu.vector_load %arg8[%swap3A_352, %swap3A_353] {strides = array<i32>} : memref<128x128xf32, #tpu.memory_space<vmem>>, vector<1x16xf32>,
          %swap3A_355 = vector.shape_cast %swap3A_354 : vector<1x16xf32> to vector<16xf32>
          %swap3A_356 = vector.shape_cast %get3A_278 : vector<16xf32> to vector<1x16xf32>
          tpu.vector_store %arg8[%swap3A_352, %swap3A_353], %swap3A_356 {strides = array<i32>} : memref<128x128xf32, #tpu.memory_space<vmem>>, vector<1x16xf32>,
          %scan3A_357 = arith.constant 3 : i32
          %scan3A_358 = arith.addi %scan3A_293, %scan3A_357 : i32
          %swap3A_359 = arith.index_cast %scan3A_358 : i32 to index
          %swap3A_360 = arith.constant 0 : index
          %swap3A_361 = tpu.vector_load %arg8[%swap3A_359, %swap3A_360] {strides = array<i32>} : memref<128x128xf32, #tpu.memory_space<vmem>>, vector<1x16xf32>,
          %swap3A_362 = vector.shape_cast %swap3A_361 : vector<1x16xf32> to vector<16xf32>
          %swap3A_363 = vector.shape_cast %get3A_266 : vector<16xf32> to vector<1x16xf32>
          tpu.vector_store %arg8[%swap3A_359, %swap3A_360], %swap3A_363 {strides = array<i32>} : memref<128x128xf32, #tpu.memory_space<vmem>>, vector<1x16xf32>,
          %swap3A_364 = arith.index_cast %scan3A_358 : i32 to index
          %swap3A_365 = arith.constant 16 : index
          %swap3A_366 = tpu.vector_load %arg8[%swap3A_364, %swap3A_365] {strides = array<i32>} : memref<128x128xf32, #tpu.memory_space<vmem>>, vector<1x16xf32>,
          %swap3A_367 = vector.shape_cast %swap3A_366 : vector<1x16xf32> to vector<16xf32>
          %swap3A_368 = vector.shape_cast %get3A_270 : vector<16xf32> to vector<1x16xf32>
          tpu.vector_store %arg8[%swap3A_364, %swap3A_365], %swap3A_368 {strides = array<i32>} : memref<128x128xf32, #tpu.memory_space<vmem>>, vector<1x16xf32>,
          %swap3A_369 = arith.index_cast %scan3A_358 : i32 to index
          %swap3A_370 = arith.constant 32 : index
          %swap3A_371 = tpu.vector_load %arg8[%swap3A_369, %swap3A_370] {strides = array<i32>} : memref<128x128xf32, #tpu.memory_space<vmem>>, vector<1x16xf32>,
          %swap3A_372 = vector.shape_cast %swap3A_371 : vector<1x16xf32> to vector<16xf32>
          %swap3A_373 = vector.shape_cast %get3A_274 : vector<16xf32> to vector<1x16xf32>
          tpu.vector_store %arg8[%swap3A_369, %swap3A_370], %swap3A_373 {strides = array<i32>} : memref<128x128xf32, #tpu.memory_space<vmem>>, vector<1x16xf32>,
          %swap3A_374 = arith.index_cast %scan3A_358 : i32 to index
          %swap3A_375 = arith.constant 48 : index
          %swap3A_376 = tpu.vector_load %arg8[%swap3A_374, %swap3A_375] {strides = array<i32>} : memref<128x128xf32, #tpu.memory_space<vmem>>, vector<1x16xf32>,
          %swap3A_377 = vector.shape_cast %swap3A_376 : vector<1x16xf32> to vector<16xf32>
          %swap3A_378 = vector.shape_cast %get3A_278 : vector<16xf32> to vector<1x16xf32>
          tpu.vector_store %arg8[%swap3A_374, %swap3A_375], %swap3A_378 {strides = array<i32>} : memref<128x128xf32, #tpu.memory_space<vmem>>, vector<1x16xf32>,
        }
        %scan3A_284 = arith.constant 128 : i32
        %add3A_285 = arith.constant 1 : i32
        %add3A_286 = arith.addi %scan3A_181, %add3A_285 : i32
        %dma_start3A_287 = arith.constant 128 : i32
        %dma_start3A_288 = tpu.memref_slice %arg6[%add3A_286, %dma_start3A_287] : memref<50x512xi32, #tpu.memory_space<vmem>> -> memref<1x128xi32, #tpu.memory_space<vmem>>
        %dma_start3A_289 = tpu.memref_squeeze %dma_start3A_288 : memref<1x128xi32, #tpu.memory_space<vmem>> -> memref<128xi32, #tpu.memory_space<vmem>>
        %dma_start3A_290 = arith.constant 0 : i32
        %dma_start3A_291 = arith.constant 0 : i32
        %dma_start3A_292 = tpu.memref_slice %arg3[%dma_start3A_290, %dma_start3A_291] : memref<1000000x128xf32, #tpu.memory_space<hbm>> -> memref<1000000x128xf32, #tpu.memory_space<hbm>>
        tpu.enqueue_indirect_dma source(%dma_start3A_292 : memref<1000000x128xf32, #tpu.memory_space<hbm>>) target(%arg8 : memref<128x128xf32, #tpu.memory_space<vmem>>) offsets(%dma_start3A_289 : memref<128xi32, #tpu.memory_space<vmem>>) semaphore(%arg14 : memref<!tpu.dma_semaphore, #tpu.memory_space<semaphore_mem>>) {add = true}
      } else {
      }
      %dma_wait3A_217 = arith.constant 256 : i32
      %dma_wait3A_218 = tpu.memref_slice %arg6[%scan3A_181, %dma_wait3A_217] : memref<50x512xi32, #tpu.memory_space<vmem>> -> memref<1x128xi32, #tpu.memory_space<vmem>>
      %dma_wait3A_219 = tpu.memref_squeeze %dma_wait3A_218 : memref<1x128xi32, #tpu.memory_space<vmem>> -> memref<128xi32, #tpu.memory_space<vmem>>
      %dma_wait3A_220 = arith.constant 0 : i32
      %dma_wait3A_221 = arith.constant 0 : i32
      %dma_wait3A_222 = tpu.memref_slice %arg3[%dma_wait3A_220, %dma_wait3A_221] : memref<1000000x128xf32, #tpu.memory_space<hbm>> -> memref<1000000x128xf32, #tpu.memory_space<hbm>>
      tpu.wait_indirect_dma semaphore(%arg15 : memref<!tpu.dma_semaphore, #tpu.memory_space<semaphore_mem>>) src(%dma_wait3A_222 : memref<1000000x128xf32, #tpu.memory_space<hbm>>) dst(%arg9 : memref<128x128xf32, #tpu.memory_space<vmem>>)
      %add3A_223 = arith.constant 256 : i32
      %add3A_224 = arith.addi %mul3A_2, %add3A_223 : i32
      %dma_start3A_225 = arith.constant 0 : i32
      %dma_start3A_226 = tpu.memref_slice %arg5[%scan3A_181, %add3A_224, %dma_start3A_225] : memref<50x16384x128xf32, #tpu.memory_space<hbm>> -> memref<1x128x128xf32, #tpu.memory_space<hbm>>
      %dma_start3A_227 = tpu.memref_squeeze %dma_start3A_226 : memref<1x128x128xf32, #tpu.memory_space<hbm>> -> memref<128x128xf32, #tpu.memory_space<hbm>>
      %dma_start3A_228 = arith.constant 0 : i32
      %dma_start3A_229 = tpu.memref_slice %arg5[%scan3A_181, %add3A_224, %dma_start3A_228] : memref<50x16384x128xf32, #tpu.memory_space<hbm>> -> memref<1x128x128xf32, #tpu.memory_space<hbm>>
      %dma_start3A_230 = tpu.memref_squeeze %dma_start3A_229 : memref<1x128x128xf32, #tpu.memory_space<hbm>> -> memref<128x128xf32, #tpu.memory_space<hbm>>
      tpu.enqueue_dma source(%arg9 : memref<128x128xf32, #tpu.memory_space<vmem>>) target(%dma_start3A_230 : memref<128x128xf32, #tpu.memory_space<hbm>>) target_semaphore(%arg19 : memref<!tpu.dma_semaphore, #tpu.memory_space<semaphore_mem>>)
      %lt3A_231 = arith.constant 49 : i32
      %lt3A_232 = arith.cmpi slt, %scan3A_181, %lt3A_231 : i32
      %convert_element_type3A_233 = arith.extui %lt3A_232 : i1 to i32
      %cond3A_234 = arith.constant 0 : i32
      %cond3A_235 = arith.cmpi ne, %convert_element_type3A_233, %cond3A_234 : i32
      scf.if %cond3A_235 {
        %dma_wait3A_255 = arith.constant 0 : i32
        %dma_wait3A_256 = tpu.memref_slice %arg5[%scan3A_181, %add3A_224, %dma_wait3A_255] : memref<50x16384x128xf32, #tpu.memory_space<hbm>> -> memref<1x128x128xf32, #tpu.memory_space<hbm>>
        %dma_wait3A_257 = tpu.memref_squeeze %dma_wait3A_256 : memref<1x128x128xf32, #tpu.memory_space<hbm>> -> memref<128x128xf32, #tpu.memory_space<hbm>>
        %dma_wait3A_258 = arith.constant 0 : i32
        %dma_wait3A_259 = tpu.memref_slice %arg5[%scan3A_181, %add3A_224, %dma_wait3A_258] : memref<50x16384x128xf32, #tpu.memory_space<hbm>> -> memref<1x128x128xf32, #tpu.memory_space<hbm>>
        %dma_wait3A_260 = tpu.memref_squeeze %dma_wait3A_259 : memref<1x128x128xf32, #tpu.memory_space<hbm>> -> memref<128x128xf32, #tpu.memory_space<hbm>>
        tpu.wait_dma2 semaphore(%arg19 : memref<!tpu.dma_semaphore, #tpu.memory_space<semaphore_mem>>) src(%arg9 : memref<128x128xf32, #tpu.memory_space<vmem>>) dst(%dma_wait3A_260 : memref<128x128xf32, #tpu.memory_space<hbm>>)
        %add3A_261 = arith.constant 1 : i32
        %add3A_262 = arith.addi %scan3A_181, %add3A_261 : i32
        %get3A_263 = arith.index_cast %add3A_262 : i32 to index
        %get3A_264 = arith.constant 0 : index
        %get3A_265 = tpu.vector_load %arg11[%get3A_263, %get3A_264] {strides = array<i32>} : memref<50x64xf32, #tpu.memory_space<vmem>>, vector<1x16xf32>,
        %get3A_266 = vector.shape_cast %get3A_265 : vector<1x16xf32> to vector<16xf32>
        %get3A_267 = arith.index_cast %add3A_262 : i32 to index
        %get3A_268 = arith.constant 16 : index
        %get3A_269 = tpu.vector_load %arg11[%get3A_267, %get3A_268] {strides = array<i32>} : memref<50x64xf32, #tpu.memory_space<vmem>>, vector<1x16xf32>,
        %get3A_270 = vector.shape_cast %get3A_269 : vector<1x16xf32> to vector<16xf32>
        %get3A_271 = arith.index_cast %add3A_262 : i32 to index
        %get3A_272 = arith.constant 32 : index
        %get3A_273 = tpu.vector_load %arg11[%get3A_271, %get3A_272] {strides = array<i32>} : memref<50x64xf32, #tpu.memory_space<vmem>>, vector<1x16xf32>,
        %get3A_274 = vector.shape_cast %get3A_273 : vector<1x16xf32> to vector<16xf32>
        %get3A_275 = arith.index_cast %add3A_262 : i32 to index
        %get3A_276 = arith.constant 48 : index
        %get3A_277 = tpu.vector_load %arg11[%get3A_275, %get3A_276] {strides = array<i32>} : memref<50x64xf32, #tpu.memory_space<vmem>>, vector<1x16xf32>,
        %get3A_278 = vector.shape_cast %get3A_277 : vector<1x16xf32> to vector<16xf32>
        %scan3A_279 = arith.constant 0 : i32
        %scan3A_280 = arith.constant 0 : i32
        %scan3A_281 = arith.constant 128 : i32
        %scan3A_282 = arith.addi %scan3A_280, %scan3A_281 : i32
        %scan3A_283 = arith.constant 4 : i32
        scf.for %scan3A_293 = %scan3A_280 to %scan3A_282 step %scan3A_283  : i32 {
          %swap3A = arith.index_cast %scan3A_293 : i32 to index
          %swap3A_294 = arith.constant 0 : index
          %swap3A_295 = tpu.vector_load %arg9[%swap3A, %swap3A_294] {strides = array<i32>} : memref<128x128xf32, #tpu.memory_space<vmem>>, vector<1x16xf32>,
          %swap3A_296 = vector.shape_cast %swap3A_295 : vector<1x16xf32> to vector<16xf32>
          %swap3A_297 = vector.shape_cast %get3A_266 : vector<16xf32> to vector<1x16xf32>
          tpu.vector_store %arg9[%swap3A, %swap3A_294], %swap3A_297 {strides = array<i32>} : memref<128x128xf32, #tpu.memory_space<vmem>>, vector<1x16xf32>,
          %swap3A_298 = arith.index_cast %scan3A_293 : i32 to index
          %swap3A_299 = arith.constant 16 : index
          %swap3A_300 = tpu.vector_load %arg9[%swap3A_298, %swap3A_299] {strides = array<i32>} : memref<128x128xf32, #tpu.memory_space<vmem>>, vector<1x16xf32>,
          %swap3A_301 = vector.shape_cast %swap3A_300 : vector<1x16xf32> to vector<16xf32>
          %swap3A_302 = vector.shape_cast %get3A_270 : vector<16xf32> to vector<1x16xf32>
          tpu.vector_store %arg9[%swap3A_298, %swap3A_299], %swap3A_302 {strides = array<i32>} : memref<128x128xf32, #tpu.memory_space<vmem>>, vector<1x16xf32>,
          %swap3A_303 = arith.index_cast %scan3A_293 : i32 to index
          %swap3A_304 = arith.constant 32 : index
          %swap3A_305 = tpu.vector_load %arg9[%swap3A_303, %swap3A_304] {strides = array<i32>} : memref<128x128xf32, #tpu.memory_space<vmem>>, vector<1x16xf32>,
          %swap3A_306 = vector.shape_cast %swap3A_305 : vector<1x16xf32> to vector<16xf32>
          %swap3A_307 = vector.shape_cast %get3A_274 : vector<16xf32> to vector<1x16xf32>
          tpu.vector_store %arg9[%swap3A_303, %swap3A_304], %swap3A_307 {strides = array<i32>} : memref<128x128xf32, #tpu.memory_space<vmem>>, vector<1x16xf32>,
          %swap3A_308 = arith.index_cast %scan3A_293 : i32 to index
          %swap3A_309 = arith.constant 48 : index
          %swap3A_310 = tpu.vector_load %arg9[%swap3A_308, %swap3A_309] {strides = array<i32>} : memref<128x128xf32, #tpu.memory_space<vmem>>, vector<1x16xf32>,
          %swap3A_311 = vector.shape_cast %swap3A_310 : vector<1x16xf32> to vector<16xf32>
          %swap3A_312 = vector.shape_cast %get3A_278 : vector<16xf32> to vector<1x16xf32>
          tpu.vector_store %arg9[%swap3A_308, %swap3A_309], %swap3A_312 {strides = array<i32>} : memref<128x128xf32, #tpu.memory_space<vmem>>, vector<1x16xf32>,
          %scan3A_313 = arith.constant 1 : i32
          %scan3A_314 = arith.addi %scan3A_293, %scan3A_313 : i32
          %swap3A_315 = arith.index_cast %scan3A_314 : i32 to index
          %swap3A_316 = arith.constant 0 : index
          %swap3A_317 = tpu.vector_load %arg9[%swap3A_315, %swap3A_316] {strides = array<i32>} : memref<128x128xf32, #tpu.memory_space<vmem>>, vector<1x16xf32>,
          %swap3A_318 = vector.shape_cast %swap3A_317 : vector<1x16xf32> to vector<16xf32>
          %swap3A_319 = vector.shape_cast %get3A_266 : vector<16xf32> to vector<1x16xf32>
          tpu.vector_store %arg9[%swap3A_315, %swap3A_316], %swap3A_319 {strides = array<i32>} : memref<128x128xf32, #tpu.memory_space<vmem>>, vector<1x16xf32>,
          %swap3A_320 = arith.index_cast %scan3A_314 : i32 to index
          %swap3A_321 = arith.constant 16 : index
          %swap3A_322 = tpu.vector_load %arg9[%swap3A_320, %swap3A_321] {strides = array<i32>} : memref<128x128xf32, #tpu.memory_space<vmem>>, vector<1x16xf32>,
          %swap3A_323 = vector.shape_cast %swap3A_322 : vector<1x16xf32> to vector<16xf32>
          %swap3A_324 = vector.shape_cast %get3A_270 : vector<16xf32> to vector<1x16xf32>
          tpu.vector_store %arg9[%swap3A_320, %swap3A_321], %swap3A_324 {strides = array<i32>} : memref<128x128xf32, #tpu.memory_space<vmem>>, vector<1x16xf32>,
          %swap3A_325 = arith.index_cast %scan3A_314 : i32 to index
          %swap3A_326 = arith.constant 32 : index
          %swap3A_327 = tpu.vector_load %arg9[%swap3A_325, %swap3A_326] {strides = array<i32>} : memref<128x128xf32, #tpu.memory_space<vmem>>, vector<1x16xf32>,
          %swap3A_328 = vector.shape_cast %swap3A_327 : vector<1x16xf32> to vector<16xf32>
          %swap3A_329 = vector.shape_cast %get3A_274 : vector<16xf32> to vector<1x16xf32>
          tpu.vector_store %arg9[%swap3A_325, %swap3A_326], %swap3A_329 {strides = array<i32>} : memref<128x128xf32, #tpu.memory_space<vmem>>, vector<1x16xf32>,
          %swap3A_330 = arith.index_cast %scan3A_314 : i32 to index
          %swap3A_331 = arith.constant 48 : index
          %swap3A_332 = tpu.vector_load %arg9[%swap3A_330, %swap3A_331] {strides = array<i32>} : memref<128x128xf32, #tpu.memory_space<vmem>>, vector<1x16xf32>,
          %swap3A_333 = vector.shape_cast %swap3A_332 : vector<1x16xf32> to vector<16xf32>
          %swap3A_334 = vector.shape_cast %get3A_278 : vector<16xf32> to vector<1x16xf32>
          tpu.vector_store %arg9[%swap3A_330, %swap3A_331], %swap3A_334 {strides = array<i32>} : memref<128x128xf32, #tpu.memory_space<vmem>>, vector<1x16xf32>,
          %scan3A_335 = arith.constant 2 : i32
          %scan3A_336 = arith.addi %scan3A_293, %scan3A_335 : i32
          %swap3A_337 = arith.index_cast %scan3A_336 : i32 to index
          %swap3A_338 = arith.constant 0 : index
          %swap3A_339 = tpu.vector_load %arg9[%swap3A_337, %swap3A_338] {strides = array<i32>} : memref<128x128xf32, #tpu.memory_space<vmem>>, vector<1x16xf32>,
          %swap3A_340 = vector.shape_cast %swap3A_339 : vector<1x16xf32> to vector<16xf32>
          %swap3A_341 = vector.shape_cast %get3A_266 : vector<16xf32> to vector<1x16xf32>
          tpu.vector_store %arg9[%swap3A_337, %swap3A_338], %swap3A_341 {strides = array<i32>} : memref<128x128xf32, #tpu.memory_space<vmem>>, vector<1x16xf32>,
          %swap3A_342 = arith.index_cast %scan3A_336 : i32 to index
          %swap3A_343 = arith.constant 16 : index
          %swap3A_344 = tpu.vector_load %arg9[%swap3A_342, %swap3A_343] {strides = array<i32>} : memref<128x128xf32, #tpu.memory_space<vmem>>, vector<1x16xf32>,
          %swap3A_345 = vector.shape_cast %swap3A_344 : vector<1x16xf32> to vector<16xf32>
          %swap3A_346 = vector.shape_cast %get3A_270 : vector<16xf32> to vector<1x16xf32>
          tpu.vector_store %arg9[%swap3A_342, %swap3A_343], %swap3A_346 {strides = array<i32>} : memref<128x128xf32, #tpu.memory_space<vmem>>, vector<1x16xf32>,
          %swap3A_347 = arith.index_cast %scan3A_336 : i32 to index
          %swap3A_348 = arith.constant 32 : index
          %swap3A_349 = tpu.vector_load %arg9[%swap3A_347, %swap3A_348] {strides = array<i32>} : memref<128x128xf32, #tpu.memory_space<vmem>>, vector<1x16xf32>,
          %swap3A_350 = vector.shape_cast %swap3A_349 : vector<1x16xf32> to vector<16xf32>
          %swap3A_351 = vector.shape_cast %get3A_274 : vector<16xf32> to vector<1x16xf32>
          tpu.vector_store %arg9[%swap3A_347, %swap3A_348], %swap3A_351 {strides = array<i32>} : memref<128x128xf32, #tpu.memory_space<vmem>>, vector<1x16xf32>,
          %swap3A_352 = arith.index_cast %scan3A_336 : i32 to index
          %swap3A_353 = arith.constant 48 : index
          %swap3A_354 = tpu.vector_load %arg9[%swap3A_352, %swap3A_353] {strides = array<i32>} : memref<128x128xf32, #tpu.memory_space<vmem>>, vector<1x16xf32>,
          %swap3A_355 = vector.shape_cast %swap3A_354 : vector<1x16xf32> to vector<16xf32>
          %swap3A_356 = vector.shape_cast %get3A_278 : vector<16xf32> to vector<1x16xf32>
          tpu.vector_store %arg9[%swap3A_352, %swap3A_353], %swap3A_356 {strides = array<i32>} : memref<128x128xf32, #tpu.memory_space<vmem>>, vector<1x16xf32>,
          %scan3A_357 = arith.constant 3 : i32
          %scan3A_358 = arith.addi %scan3A_293, %scan3A_357 : i32
          %swap3A_359 = arith.index_cast %scan3A_358 : i32 to index
          %swap3A_360 = arith.constant 0 : index
          %swap3A_361 = tpu.vector_load %arg9[%swap3A_359, %swap3A_360] {strides = array<i32>} : memref<128x128xf32, #tpu.memory_space<vmem>>, vector<1x16xf32>,
          %swap3A_362 = vector.shape_cast %swap3A_361 : vector<1x16xf32> to vector<16xf32>
          %swap3A_363 = vector.shape_cast %get3A_266 : vector<16xf32> to vector<1x16xf32>
          tpu.vector_store %arg9[%swap3A_359, %swap3A_360], %swap3A_363 {strides = array<i32>} : memref<128x128xf32, #tpu.memory_space<vmem>>, vector<1x16xf32>,
          %swap3A_364 = arith.index_cast %scan3A_358 : i32 to index
          %swap3A_365 = arith.constant 16 : index
          %swap3A_366 = tpu.vector_load %arg9[%swap3A_364, %swap3A_365] {strides = array<i32>} : memref<128x128xf32, #tpu.memory_space<vmem>>, vector<1x16xf32>,
          %swap3A_367 = vector.shape_cast %swap3A_366 : vector<1x16xf32> to vector<16xf32>
          %swap3A_368 = vector.shape_cast %get3A_270 : vector<16xf32> to vector<1x16xf32>
          tpu.vector_store %arg9[%swap3A_364, %swap3A_365], %swap3A_368 {strides = array<i32>} : memref<128x128xf32, #tpu.memory_space<vmem>>, vector<1x16xf32>,
          %swap3A_369 = arith.index_cast %scan3A_358 : i32 to index
          %swap3A_370 = arith.constant 32 : index
          %swap3A_371 = tpu.vector_load %arg9[%swap3A_369, %swap3A_370] {strides = array<i32>} : memref<128x128xf32, #tpu.memory_space<vmem>>, vector<1x16xf32>,
          %swap3A_372 = vector.shape_cast %swap3A_371 : vector<1x16xf32> to vector<16xf32>
          %swap3A_373 = vector.shape_cast %get3A_274 : vector<16xf32> to vector<1x16xf32>
          tpu.vector_store %arg9[%swap3A_369, %swap3A_370], %swap3A_373 {strides = array<i32>} : memref<128x128xf32, #tpu.memory_space<vmem>>, vector<1x16xf32>,
          %swap3A_374 = arith.index_cast %scan3A_358 : i32 to index
          %swap3A_375 = arith.constant 48 : index
          %swap3A_376 = tpu.vector_load %arg9[%swap3A_374, %swap3A_375] {strides = array<i32>} : memref<128x128xf32, #tpu.memory_space<vmem>>, vector<1x16xf32>,
          %swap3A_377 = vector.shape_cast %swap3A_376 : vector<1x16xf32> to vector<16xf32>
          %swap3A_378 = vector.shape_cast %get3A_278 : vector<16xf32> to vector<1x16xf32>
          tpu.vector_store %arg9[%swap3A_374, %swap3A_375], %swap3A_378 {strides = array<i32>} : memref<128x128xf32, #tpu.memory_space<vmem>>, vector<1x16xf32>,
        }
        %scan3A_284 = arith.constant 128 : i32
        %add3A_285 = arith.constant 1 : i32
        %add3A_286 = arith.addi %scan3A_181, %add3A_285 : i32
        %dma_start3A_287 = arith.constant 256 : i32
        %dma_start3A_288 = tpu.memref_slice %arg6[%add3A_286, %dma_start3A_287] : memref<50x512xi32, #tpu.memory_space<vmem>> -> memref<1x128xi32, #tpu.memory_space<vmem>>
        %dma_start3A_289 = tpu.memref_squeeze %dma_start3A_288 : memref<1x128xi32, #tpu.memory_space<vmem>> -> memref<128xi32, #tpu.memory_space<vmem>>
        %dma_start3A_290 = arith.constant 0 : i32
        %dma_start3A_291 = arith.constant 0 : i32
        %dma_start3A_292 = tpu.memref_slice %arg3[%dma_start3A_290, %dma_start3A_291] : memref<1000000x128xf32, #tpu.memory_space<hbm>> -> memref<1000000x128xf32, #tpu.memory_space<hbm>>
        tpu.enqueue_indirect_dma source(%dma_start3A_292 : memref<1000000x128xf32, #tpu.memory_space<hbm>>) target(%arg9 : memref<128x128xf32, #tpu.memory_space<vmem>>) offsets(%dma_start3A_289 : memref<128xi32, #tpu.memory_space<vmem>>) semaphore(%arg15 : memref<!tpu.dma_semaphore, #tpu.memory_space<semaphore_mem>>) {add = true}
      } else {
      }
      %dma_wait3A_236 = arith.constant 384 : i32
      %dma_wait3A_237 = tpu.memref_slice %arg6[%scan3A_181, %dma_wait3A_236] : memref<50x512xi32, #tpu.memory_space<vmem>> -> memref<1x128xi32, #tpu.memory_space<vmem>>
      %dma_wait3A_238 = tpu.memref_squeeze %dma_wait3A_237 : memref<1x128xi32, #tpu.memory_space<vmem>> -> memref<128xi32, #tpu.memory_space<vmem>>
      %dma_wait3A_239 = arith.constant 0 : i32
      %dma_wait3A_240 = arith.constant 0 : i32
      %dma_wait3A_241 = tpu.memref_slice %arg3[%dma_wait3A_239, %dma_wait3A_240] : memref<1000000x128xf32, #tpu.memory_space<hbm>> -> memref<1000000x128xf32, #tpu.memory_space<hbm>>
      tpu.wait_indirect_dma semaphore(%arg16 : memref<!tpu.dma_semaphore, #tpu.memory_space<semaphore_mem>>) src(%dma_wait3A_241 : memref<1000000x128xf32, #tpu.memory_space<hbm>>) dst(%arg10 : memref<128x128xf32, #tpu.memory_space<vmem>>)
      %add3A_242 = arith.constant 384 : i32
      %add3A_243 = arith.addi %mul3A_2, %add3A_242 : i32
      %dma_start3A_244 = arith.constant 0 : i32
      %dma_start3A_245 = tpu.memref_slice %arg5[%scan3A_181, %add3A_243, %dma_start3A_244] : memref<50x16384x128xf32, #tpu.memory_space<hbm>> -> memref<1x128x128xf32, #tpu.memory_space<hbm>>
      %dma_start3A_246 = tpu.memref_squeeze %dma_start3A_245 : memref<1x128x128xf32, #tpu.memory_space<hbm>> -> memref<128x128xf32, #tpu.memory_space<hbm>>
      %dma_start3A_247 = arith.constant 0 : i32
      %dma_start3A_248 = tpu.memref_slice %arg5[%scan3A_181, %add3A_243, %dma_start3A_247] : memref<50x16384x128xf32, #tpu.memory_space<hbm>> -> memref<1x128x128xf32, #tpu.memory_space<hbm>>
      %dma_start3A_249 = tpu.memref_squeeze %dma_start3A_248 : memref<1x128x128xf32, #tpu.memory_space<hbm>> -> memref<128x128xf32, #tpu.memory_space<hbm>>
      tpu.enqueue_dma source(%arg10 : memref<128x128xf32, #tpu.memory_space<vmem>>) target(%dma_start3A_249 : memref<128x128xf32, #tpu.memory_space<hbm>>) target_semaphore(%arg20 : memref<!tpu.dma_semaphore, #tpu.memory_space<semaphore_mem>>)
      %lt3A_250 = arith.constant 49 : i32
      %lt3A_251 = arith.cmpi slt, %scan3A_181, %lt3A_250 : i32
      %convert_element_type3A_252 = arith.extui %lt3A_251 : i1 to i32
      %cond3A_253 = arith.constant 0 : i32
      %cond3A_254 = arith.cmpi ne, %convert_element_type3A_252, %cond3A_253 : i32
      scf.if %cond3A_254 {
        %dma_wait3A_255 = arith.constant 0 : i32
        %dma_wait3A_256 = tpu.memref_slice %arg5[%scan3A_181, %add3A_243, %dma_wait3A_255] : memref<50x16384x128xf32, #tpu.memory_space<hbm>> -> memref<1x128x128xf32, #tpu.memory_space<hbm>>
        %dma_wait3A_257 = tpu.memref_squeeze %dma_wait3A_256 : memref<1x128x128xf32, #tpu.memory_space<hbm>> -> memref<128x128xf32, #tpu.memory_space<hbm>>
        %dma_wait3A_258 = arith.constant 0 : i32
        %dma_wait3A_259 = tpu.memref_slice %arg5[%scan3A_181, %add3A_243, %dma_wait3A_258] : memref<50x16384x128xf32, #tpu.memory_space<hbm>> -> memref<1x128x128xf32, #tpu.memory_space<hbm>>
        %dma_wait3A_260 = tpu.memref_squeeze %dma_wait3A_259 : memref<1x128x128xf32, #tpu.memory_space<hbm>> -> memref<128x128xf32, #tpu.memory_space<hbm>>
        tpu.wait_dma2 semaphore(%arg20 : memref<!tpu.dma_semaphore, #tpu.memory_space<semaphore_mem>>) src(%arg10 : memref<128x128xf32, #tpu.memory_space<vmem>>) dst(%dma_wait3A_260 : memref<128x128xf32, #tpu.memory_space<hbm>>)
        %add3A_261 = arith.constant 1 : i32
        %add3A_262 = arith.addi %scan3A_181, %add3A_261 : i32
        %get3A_263 = arith.index_cast %add3A_262 : i32 to index
        %get3A_264 = arith.constant 0 : index
        %get3A_265 = tpu.vector_load %arg11[%get3A_263, %get3A_264] {strides = array<i32>} : memref<50x64xf32, #tpu.memory_space<vmem>>, vector<1x16xf32>,
        %get3A_266 = vector.shape_cast %get3A_265 : vector<1x16xf32> to vector<16xf32>
        %get3A_267 = arith.index_cast %add3A_262 : i32 to index
        %get3A_268 = arith.constant 16 : index
        %get3A_269 = tpu.vector_load %arg11[%get3A_267, %get3A_268] {strides = array<i32>} : memref<50x64xf32, #tpu.memory_space<vmem>>, vector<1x16xf32>,
        %get3A_270 = vector.shape_cast %get3A_269 : vector<1x16xf32> to vector<16xf32>
        %get3A_271 = arith.index_cast %add3A_262 : i32 to index
        %get3A_272 = arith.constant 32 : index
        %get3A_273 = tpu.vector_load %arg11[%get3A_271, %get3A_272] {strides = array<i32>} : memref<50x64xf32, #tpu.memory_space<vmem>>, vector<1x16xf32>,
        %get3A_274 = vector.shape_cast %get3A_273 : vector<1x16xf32> to vector<16xf32>
        %get3A_275 = arith.index_cast %add3A_262 : i32 to index
        %get3A_276 = arith.constant 48 : index
        %get3A_277 = tpu.vector_load %arg11[%get3A_275, %get3A_276] {strides = array<i32>} : memref<50x64xf32, #tpu.memory_space<vmem>>, vector<1x16xf32>,
        %get3A_278 = vector.shape_cast %get3A_277 : vector<1x16xf32> to vector<16xf32>
        %scan3A_279 = arith.constant 0 : i32
        %scan3A_280 = arith.constant 0 : i32
        %scan3A_281 = arith.constant 128 : i32
        %scan3A_282 = arith.addi %scan3A_280, %scan3A_281 : i32
        %scan3A_283 = arith.constant 4 : i32
        scf.for %scan3A_293 = %scan3A_280 to %scan3A_282 step %scan3A_283  : i32 {
          %swap3A = arith.index_cast %scan3A_293 : i32 to index
          %swap3A_294 = arith.constant 0 : index
          %swap3A_295 = tpu.vector_load %arg10[%swap3A, %swap3A_294] {strides = array<i32>} : memref<128x128xf32, #tpu.memory_space<vmem>>, vector<1x16xf32>,
          %swap3A_296 = vector.shape_cast %swap3A_295 : vector<1x16xf32> to vector<16xf32>
          %swap3A_297 = vector.shape_cast %get3A_266 : vector<16xf32> to vector<1x16xf32>
          tpu.vector_store %arg10[%swap3A, %swap3A_294], %swap3A_297 {strides = array<i32>} : memref<128x128xf32, #tpu.memory_space<vmem>>, vector<1x16xf32>,
          %swap3A_298 = arith.index_cast %scan3A_293 : i32 to index
          %swap3A_299 = arith.constant 16 : index
          %swap3A_300 = tpu.vector_load %arg10[%swap3A_298, %swap3A_299] {strides = array<i32>} : memref<128x128xf32, #tpu.memory_space<vmem>>, vector<1x16xf32>,
          %swap3A_301 = vector.shape_cast %swap3A_300 : vector<1x16xf32> to vector<16xf32>
          %swap3A_302 = vector.shape_cast %get3A_270 : vector<16xf32> to vector<1x16xf32>
          tpu.vector_store %arg10[%swap3A_298, %swap3A_299], %swap3A_302 {strides = array<i32>} : memref<128x128xf32, #tpu.memory_space<vmem>>, vector<1x16xf32>,
          %swap3A_303 = arith.index_cast %scan3A_293 : i32 to index
          %swap3A_304 = arith.constant 32 : index
          %swap3A_305 = tpu.vector_load %arg10[%swap3A_303, %swap3A_304] {strides = array<i32>} : memref<128x128xf32, #tpu.memory_space<vmem>>, vector<1x16xf32>,
          %swap3A_306 = vector.shape_cast %swap3A_305 : vector<1x16xf32> to vector<16xf32>
          %swap3A_307 = vector.shape_cast %get3A_274 : vector<16xf32> to vector<1x16xf32>
          tpu.vector_store %arg10[%swap3A_303, %swap3A_304], %swap3A_307 {strides = array<i32>} : memref<128x128xf32, #tpu.memory_space<vmem>>, vector<1x16xf32>,
          %swap3A_308 = arith.index_cast %scan3A_293 : i32 to index
          %swap3A_309 = arith.constant 48 : index
          %swap3A_310 = tpu.vector_load %arg10[%swap3A_308, %swap3A_309] {strides = array<i32>} : memref<128x128xf32, #tpu.memory_space<vmem>>, vector<1x16xf32>,
          %swap3A_311 = vector.shape_cast %swap3A_310 : vector<1x16xf32> to vector<16xf32>
          %swap3A_312 = vector.shape_cast %get3A_278 : vector<16xf32> to vector<1x16xf32>
          tpu.vector_store %arg10[%swap3A_308, %swap3A_309], %swap3A_312 {strides = array<i32>} : memref<128x128xf32, #tpu.memory_space<vmem>>, vector<1x16xf32>,
          %scan3A_313 = arith.constant 1 : i32
          %scan3A_314 = arith.addi %scan3A_293, %scan3A_313 : i32
          %swap3A_315 = arith.index_cast %scan3A_314 : i32 to index
          %swap3A_316 = arith.constant 0 : index
          %swap3A_317 = tpu.vector_load %arg10[%swap3A_315, %swap3A_316] {strides = array<i32>} : memref<128x128xf32, #tpu.memory_space<vmem>>, vector<1x16xf32>,
          %swap3A_318 = vector.shape_cast %swap3A_317 : vector<1x16xf32> to vector<16xf32>
          %swap3A_319 = vector.shape_cast %get3A_266 : vector<16xf32> to vector<1x16xf32>
          tpu.vector_store %arg10[%swap3A_315, %swap3A_316], %swap3A_319 {strides = array<i32>} : memref<128x128xf32, #tpu.memory_space<vmem>>, vector<1x16xf32>,
          %swap3A_320 = arith.index_cast %scan3A_314 : i32 to index
          %swap3A_321 = arith.constant 16 : index
          %swap3A_322 = tpu.vector_load %arg10[%swap3A_320, %swap3A_321] {strides = array<i32>} : memref<128x128xf32, #tpu.memory_space<vmem>>, vector<1x16xf32>,
          %swap3A_323 = vector.shape_cast %swap3A_322 : vector<1x16xf32> to vector<16xf32>
          %swap3A_324 = vector.shape_cast %get3A_270 : vector<16xf32> to vector<1x16xf32>
          tpu.vector_store %arg10[%swap3A_320, %swap3A_321], %swap3A_324 {strides = array<i32>} : memref<128x128xf32, #tpu.memory_space<vmem>>, vector<1x16xf32>,
          %swap3A_325 = arith.index_cast %scan3A_314 : i32 to index
          %swap3A_326 = arith.constant 32 : index
          %swap3A_327 = tpu.vector_load %arg10[%swap3A_325, %swap3A_326] {strides = array<i32>} : memref<128x128xf32, #tpu.memory_space<vmem>>, vector<1x16xf32>,
          %swap3A_328 = vector.shape_cast %swap3A_327 : vector<1x16xf32> to vector<16xf32>
          %swap3A_329 = vector.shape_cast %get3A_274 : vector<16xf32> to vector<1x16xf32>
          tpu.vector_store %arg10[%swap3A_325, %swap3A_326], %swap3A_329 {strides = array<i32>} : memref<128x128xf32, #tpu.memory_space<vmem>>, vector<1x16xf32>,
          %swap3A_330 = arith.index_cast %scan3A_314 : i32 to index
          %swap3A_331 = arith.constant 48 : index
          %swap3A_332 = tpu.vector_load %arg10[%swap3A_330, %swap3A_331] {strides = array<i32>} : memref<128x128xf32, #tpu.memory_space<vmem>>, vector<1x16xf32>,
          %swap3A_333 = vector.shape_cast %swap3A_332 : vector<1x16xf32> to vector<16xf32>
          %swap3A_334 = vector.shape_cast %get3A_278 : vector<16xf32> to vector<1x16xf32>
          tpu.vector_store %arg10[%swap3A_330, %swap3A_331], %swap3A_334 {strides = array<i32>} : memref<128x128xf32, #tpu.memory_space<vmem>>, vector<1x16xf32>,
          %scan3A_335 = arith.constant 2 : i32
          %scan3A_336 = arith.addi %scan3A_293, %scan3A_335 : i32
          %swap3A_337 = arith.index_cast %scan3A_336 : i32 to index
          %swap3A_338 = arith.constant 0 : index
          %swap3A_339 = tpu.vector_load %arg10[%swap3A_337, %swap3A_338] {strides = array<i32>} : memref<128x128xf32, #tpu.memory_space<vmem>>, vector<1x16xf32>,
          %swap3A_340 = vector.shape_cast %swap3A_339 : vector<1x16xf32> to vector<16xf32>
          %swap3A_341 = vector.shape_cast %get3A_266 : vector<16xf32> to vector<1x16xf32>
          tpu.vector_store %arg10[%swap3A_337, %swap3A_338], %swap3A_341 {strides = array<i32>} : memref<128x128xf32, #tpu.memory_space<vmem>>, vector<1x16xf32>,
          %swap3A_342 = arith.index_cast %scan3A_336 : i32 to index
          %swap3A_343 = arith.constant 16 : index
          %swap3A_344 = tpu.vector_load %arg10[%swap3A_342, %swap3A_343] {strides = array<i32>} : memref<128x128xf32, #tpu.memory_space<vmem>>, vector<1x16xf32>,
          %swap3A_345 = vector.shape_cast %swap3A_344 : vector<1x16xf32> to vector<16xf32>
          %swap3A_346 = vector.shape_cast %get3A_270 : vector<16xf32> to vector<1x16xf32>
          tpu.vector_store %arg10[%swap3A_342, %swap3A_343], %swap3A_346 {strides = array<i32>} : memref<128x128xf32, #tpu.memory_space<vmem>>, vector<1x16xf32>,
          %swap3A_347 = arith.index_cast %scan3A_336 : i32 to index
          %swap3A_348 = arith.constant 32 : index
          %swap3A_349 = tpu.vector_load %arg10[%swap3A_347, %swap3A_348] {strides = array<i32>} : memref<128x128xf32, #tpu.memory_space<vmem>>, vector<1x16xf32>,
          %swap3A_350 = vector.shape_cast %swap3A_349 : vector<1x16xf32> to vector<16xf32>
          %swap3A_351 = vector.shape_cast %get3A_274 : vector<16xf32> to vector<1x16xf32>
          tpu.vector_store %arg10[%swap3A_347, %swap3A_348], %swap3A_351 {strides = array<i32>} : memref<128x128xf32, #tpu.memory_space<vmem>>, vector<1x16xf32>,
          %swap3A_352 = arith.index_cast %scan3A_336 : i32 to index
          %swap3A_353 = arith.constant 48 : index
          %swap3A_354 = tpu.vector_load %arg10[%swap3A_352, %swap3A_353] {strides = array<i32>} : memref<128x128xf32, #tpu.memory_space<vmem>>, vector<1x16xf32>,
          %swap3A_355 = vector.shape_cast %swap3A_354 : vector<1x16xf32> to vector<16xf32>
          %swap3A_356 = vector.shape_cast %get3A_278 : vector<16xf32> to vector<1x16xf32>
          tpu.vector_store %arg10[%swap3A_352, %swap3A_353], %swap3A_356 {strides = array<i32>} : memref<128x128xf32, #tpu.memory_space<vmem>>, vector<1x16xf32>,
          %scan3A_357 = arith.constant 3 : i32
          %scan3A_358 = arith.addi %scan3A_293, %scan3A_357 : i32
          %swap3A_359 = arith.index_cast %scan3A_358 : i32 to index
          %swap3A_360 = arith.constant 0 : index
          %swap3A_361 = tpu.vector_load %arg10[%swap3A_359, %swap3A_360] {strides = array<i32>} : memref<128x128xf32, #tpu.memory_space<vmem>>, vector<1x16xf32>,
          %swap3A_362 = vector.shape_cast %swap3A_361 : vector<1x16xf32> to vector<16xf32>
          %swap3A_363 = vector.shape_cast %get3A_266 : vector<16xf32> to vector<1x16xf32>
          tpu.vector_store %arg10[%swap3A_359, %swap3A_360], %swap3A_363 {strides = array<i32>} : memref<128x128xf32, #tpu.memory_space<vmem>>, vector<1x16xf32>,
          %swap3A_364 = arith.index_cast %scan3A_358 : i32 to index
          %swap3A_365 = arith.constant 16 : index
          %swap3A_366 = tpu.vector_load %arg10[%swap3A_364, %swap3A_365] {strides = array<i32>} : memref<128x128xf32, #tpu.memory_space<vmem>>, vector<1x16xf32>,
          %swap3A_367 = vector.shape_cast %swap3A_366 : vector<1x16xf32> to vector<16xf32>
          %swap3A_368 = vector.shape_cast %get3A_270 : vector<16xf32> to vector<1x16xf32>
          tpu.vector_store %arg10[%swap3A_364, %swap3A_365], %swap3A_368 {strides = array<i32>} : memref<128x128xf32, #tpu.memory_space<vmem>>, vector<1x16xf32>,
          %swap3A_369 = arith.index_cast %scan3A_358 : i32 to index
          %swap3A_370 = arith.constant 32 : index
          %swap3A_371 = tpu.vector_load %arg10[%swap3A_369, %swap3A_370] {strides = array<i32>} : memref<128x128xf32, #tpu.memory_space<vmem>>, vector<1x16xf32>,
          %swap3A_372 = vector.shape_cast %swap3A_371 : vector<1x16xf32> to vector<16xf32>
          %swap3A_373 = vector.shape_cast %get3A_274 : vector<16xf32> to vector<1x16xf32>
          tpu.vector_store %arg10[%swap3A_369, %swap3A_370], %swap3A_373 {strides = array<i32>} : memref<128x128xf32, #tpu.memory_space<vmem>>, vector<1x16xf32>,
          %swap3A_374 = arith.index_cast %scan3A_358 : i32 to index
          %swap3A_375 = arith.constant 48 : index
          %swap3A_376 = tpu.vector_load %arg10[%swap3A_374, %swap3A_375] {strides = array<i32>} : memref<128x128xf32, #tpu.memory_space<vmem>>, vector<1x16xf32>,
          %swap3A_377 = vector.shape_cast %swap3A_376 : vector<1x16xf32> to vector<16xf32>
          %swap3A_378 = vector.shape_cast %get3A_278 : vector<16xf32> to vector<1x16xf32>
          tpu.vector_store %arg10[%swap3A_374, %swap3A_375], %swap3A_378 {strides = array<i32>} : memref<128x128xf32, #tpu.memory_space<vmem>>, vector<1x16xf32>,
        }
        %scan3A_284 = arith.constant 128 : i32
        %add3A_285 = arith.constant 1 : i32
        %add3A_286 = arith.addi %scan3A_181, %add3A_285 : i32
        %dma_start3A_287 = arith.constant 384 : i32
        %dma_start3A_288 = tpu.memref_slice %arg6[%add3A_286, %dma_start3A_287] : memref<50x512xi32, #tpu.memory_space<vmem>> -> memref<1x128xi32, #tpu.memory_space<vmem>>
        %dma_start3A_289 = tpu.memref_squeeze %dma_start3A_288 : memref<1x128xi32, #tpu.memory_space<vmem>> -> memref<128xi32, #tpu.memory_space<vmem>>
        %dma_start3A_290 = arith.constant 0 : i32
        %dma_start3A_291 = arith.constant 0 : i32
        %dma_start3A_292 = tpu.memref_slice %arg3[%dma_start3A_290, %dma_start3A_291] : memref<1000000x128xf32, #tpu.memory_space<hbm>> -> memref<1000000x128xf32, #tpu.memory_space<hbm>>
        tpu.enqueue_indirect_dma source(%dma_start3A_292 : memref<1000000x128xf32, #tpu.memory_space<hbm>>) target(%arg10 : memref<128x128xf32, #tpu.memory_space<vmem>>) offsets(%dma_start3A_289 : memref<128xi32, #tpu.memory_space<vmem>>) semaphore(%arg16 : memref<!tpu.dma_semaphore, #tpu.memory_space<semaphore_mem>>) {add = true}
      } else {
      }
    }
    %scan3A_144 = arith.constant 50 : i32
    %dma_wait3A_145 = arith.constant 0 : i32
    %dma_wait3A_146 = arith.constant 0 : i32
    %dma_wait3A_147 = arith.constant 0 : i32
    %dma_wait3A_148 = tpu.memref_slice %arg5[%dma_wait3A_145, %dma_wait3A_146, %dma_wait3A_147] : memref<50x16384x128xf32, #tpu.memory_space<hbm>> -> memref<1x128x128xf32, #tpu.memory_space<hbm>>
    %dma_wait3A_149 = tpu.memref_squeeze %dma_wait3A_148 : memref<1x128x128xf32, #tpu.memory_space<hbm>> -> memref<128x128xf32, #tpu.memory_space<hbm>>
    %dma_wait3A_150 = arith.constant 0 : i32
    %dma_wait3A_151 = arith.constant 0 : i32
    %dma_wait3A_152 = tpu.memref_slice %arg5[%dma_wait3A_145, %dma_wait3A_150, %dma_wait3A_151] : memref<50x16384x128xf32, #tpu.memory_space<hbm>> -> memref<1x128x128xf32, #tpu.memory_space<hbm>>
    %dma_wait3A_153 = tpu.memref_squeeze %dma_wait3A_152 : memref<1x128x128xf32, #tpu.memory_space<hbm>> -> memref<128x128xf32, #tpu.memory_space<hbm>>
    tpu.wait_dma2 semaphore(%arg17 : memref<!tpu.dma_semaphore, #tpu.memory_space<semaphore_mem>>) src(%arg7 : memref<128x128xf32, #tpu.memory_space<vmem>>) dst(%dma_wait3A_153 : memref<128x128xf32, #tpu.memory_space<hbm>>)
    %dma_wait3A_154 = arith.constant 0 : i32
    %dma_wait3A_155 = arith.constant 0 : i32
    %dma_wait3A_156 = arith.constant 0 : i32
    %dma_wait3A_157 = tpu.memref_slice %arg5[%dma_wait3A_154, %dma_wait3A_155, %dma_wait3A_156] : memref<50x16384x128xf32, #tpu.memory_space<hbm>> -> memref<1x128x128xf32, #tpu.memory_space<hbm>>
    %dma_wait3A_158 = tpu.memref_squeeze %dma_wait3A_157 : memref<1x128x128xf32, #tpu.memory_space<hbm>> -> memref<128x128xf32, #tpu.memory_space<hbm>>
    %dma_wait3A_159 = arith.constant 0 : i32
    %dma_wait3A_160 = arith.constant 0 : i32
    %dma_wait3A_161 = tpu.memref_slice %arg5[%dma_wait3A_154, %dma_wait3A_159, %dma_wait3A_160] : memref<50x16384x128xf32, #tpu.memory_space<hbm>> -> memref<1x128x128xf32, #tpu.memory_space<hbm>>
    %dma_wait3A_162 = tpu.memref_squeeze %dma_wait3A_161 : memref<1x128x128xf32, #tpu.memory_space<hbm>> -> memref<128x128xf32, #tpu.memory_space<hbm>>
    tpu.wait_dma2 semaphore(%arg18 : memref<!tpu.dma_semaphore, #tpu.memory_space<semaphore_mem>>) src(%arg8 : memref<128x128xf32, #tpu.memory_space<vmem>>) dst(%dma_wait3A_162 : memref<128x128xf32, #tpu.memory_space<hbm>>)
    %dma_wait3A_163 = arith.constant 0 : i32
    %dma_wait3A_164 = arith.constant 0 : i32
    %dma_wait3A_165 = arith.constant 0 : i32
    %dma_wait3A_166 = tpu.memref_slice %arg5[%dma_wait3A_163, %dma_wait3A_164, %dma_wait3A_165] : memref<50x16384x128xf32, #tpu.memory_space<hbm>> -> memref<1x128x128xf32, #tpu.memory_space<hbm>>
    %dma_wait3A_167 = tpu.memref_squeeze %dma_wait3A_166 : memref<1x128x128xf32, #tpu.memory_space<hbm>> -> memref<128x128xf32, #tpu.memory_space<hbm>>
    %dma_wait3A_168 = arith.constant 0 : i32
    %dma_wait3A_169 = arith.constant 0 : i32
    %dma_wait3A_170 = tpu.memref_slice %arg5[%dma_wait3A_163, %dma_wait3A_168, %dma_wait3A_169] : memref<50x16384x128xf32, #tpu.memory_space<hbm>> -> memref<1x128x128xf32, #tpu.memory_space<hbm>>
    %dma_wait3A_171 = tpu.memref_squeeze %dma_wait3A_170 : memref<1x128x128xf32, #tpu.memory_space<hbm>> -> memref<128x128xf32, #tpu.memory_space<hbm>>
    tpu.wait_dma2 semaphore(%arg19 : memref<!tpu.dma_semaphore, #tpu.memory_space<semaphore_mem>>) src(%arg9 : memref<128x128xf32, #tpu.memory_space<vmem>>) dst(%dma_wait3A_171 : memref<128x128xf32, #tpu.memory_space<hbm>>)
    %dma_wait3A_172 = arith.constant 0 : i32
    %dma_wait3A_173 = arith.constant 0 : i32
    %dma_wait3A_174 = arith.constant 0 : i32
    %dma_wait3A_175 = tpu.memref_slice %arg5[%dma_wait3A_172, %dma_wait3A_173, %dma_wait3A_174] : memref<50x16384x128xf32, #tpu.memory_space<hbm>> -> memref<1x128x128xf32, #tpu.memory_space<hbm>>
    %dma_wait3A_176 = tpu.memref_squeeze %dma_wait3A_175 : memref<1x128x128xf32, #tpu.memory_space<hbm>> -> memref<128x128xf32, #tpu.memory_space<hbm>>
    %dma_wait3A_177 = arith.constant 0 : i32
    %dma_wait3A_178 = arith.constant 0 : i32
    %dma_wait3A_179 = tpu.memref_slice %arg5[%dma_wait3A_172, %dma_wait3A_177, %dma_wait3A_178] : memref<50x16384x128xf32, #tpu.memory_space<hbm>> -> memref<1x128x128xf32, #tpu.memory_space<hbm>>
    %dma_wait3A_180 = tpu.memref_squeeze %dma_wait3A_179 : memref<1x128x128xf32, #tpu.memory_space<hbm>> -> memref<128x128xf32, #tpu.memory_space<hbm>>
    tpu.wait_dma2 semaphore(%arg20 : memref<!tpu.dma_semaphore, #tpu.memory_space<semaphore_mem>>) src(%arg10 : memref<128x128xf32, #tpu.memory_space<vmem>>) dst(%dma_wait3A_180 : memref<128x128xf32, #tpu.memory_space<hbm>>)
    return
  }
}

module attributes {stable_mosaic.version = 14 : i64} {
  func.func @_to_tiles_body(%arg0: i32, %arg1: i32, %arg2: memref<1x8192x128xf32, #tpu.memory_space<vmem>>, %arg3: memref<1x8x64x8x128xf32, #tpu.memory_space<vmem>>) attributes {dimension_semantics = [#tpu.dimension_semantics<arbitrary>, #tpu.dimension_semantics<arbitrary>], iteration_bounds = array<i64: 50, 2>, scalar_prefetch = 0 : i64, scratch_operands = 0 : i64, tpu.core_type = #tpu.core_type<tc>, window_params = [{transform_indices = @transform_0, window_bounds = array<i64: 1, 8192, 128>}, {transform_indices = @transform_1, window_bounds = array<i64: 1, 8, 64, 8, 128>}]} {
    %get3A = arith.constant 0 : index
    %get3A_0 = arith.constant 0 : index
    %get3A_1 = arith.constant 0 : index
    %get3A_2 = vector.load %arg2[%get3A, %get3A_0, %get3A_1] : memref<1x8192x128xf32, #tpu.memory_space<vmem>>, vector<1x8192x64xf32>
    %get3A_3 = vector.shape_cast %get3A_2 : vector<1x8192x64xf32> to vector<8192x64xf32>
    %transpose3A = tpu.transpose %get3A_3, [1, 0] : vector<8192x64xf32> -> vector<64x8192xf32>
    %reshape3A = vector.shape_cast %transpose3A : vector<64x8192xf32> to vector<8x8x64x128xf32>
    %transpose3A_4 = tpu.transpose %reshape3A, [0, 2, 1, 3] : vector<8x8x64x128xf32> -> vector<8x64x8x128xf32>
    %swap3A = arith.constant 0 : index
    %swap3A_5 = arith.constant 0 : index
    %swap3A_6 = arith.constant 0 : index
    %swap3A_7 = arith.constant 0 : index
    %swap3A_8 = arith.constant 0 : index
    %swap3A_9 = vector.load %arg3[%swap3A, %swap3A_5, %swap3A_6, %swap3A_7, %swap3A_8] : memref<1x8x64x8x128xf32, #tpu.memory_space<vmem>>, vector<1x8x64x8x128xf32>
    %swap3A_10 = vector.shape_cast %swap3A_9 : vector<1x8x64x8x128xf32> to vector<8x64x8x128xf32>
    %swap3A_11 = vector.shape_cast %transpose3A_4 : vector<8x64x8x128xf32> to vector<1x8x64x8x128xf32>
    tpu.vector_store %arg3[%swap3A, %swap3A_5, %swap3A_6, %swap3A_7, %swap3A_8], %swap3A_11 {strides = array<i32>} : memref<1x8x64x8x128xf32, #tpu.memory_space<vmem>>, vector<1x8x64x8x128xf32>,
    return
  }
  func.func @transform_0(%arg0: i32, %arg1: i32) -> (i32, i32, i32) {
    %c0_i32 = arith.constant 0 : i32
    %c0_i32_0 = arith.constant 0 : i32
    return %arg0, %arg1, %c0_i32 : i32, i32, i32
  }
  func.func @transform_1(%arg0: i32, %arg1: i32) -> (i32, i32, i32, i32, i32) {
    %c0_i32 = arith.constant 0 : i32
    %c0_i32_0 = arith.constant 0 : i32
    %c0_i32_1 = arith.constant 0 : i32
    %c0_i32_2 = arith.constant 0 : i32
    return %arg0, %c0_i32, %arg1, %c0_i32_0, %c0_i32_1 : i32, i32, i32, i32, i32
  }
}

module attributes {stable_mosaic.version = 14 : i64} {
  func.func @_relayout_body(%arg0: i32, %arg1: memref<64x16384xf32, #tpu.memory_space<vmem>>, %arg2: memref<64x64xf32, #tpu.memory_space<vmem>>, %arg3: memref<16384x128xf32, #tpu.memory_space<vmem>>) attributes {dimension_semantics = [#tpu.dimension_semantics<arbitrary>], iteration_bounds = array<i64: 62>, scalar_prefetch = 0 : i64, scratch_operands = 0 : i64, tpu.core_type = #tpu.core_type<tc>, window_params = [{transform_indices = @transform_0, window_bounds = array<i64: 64, 16384>}, {pipeline_mode = #tpu.pipeline_mode<synchronous>, transform_indices = @transform_1, window_bounds = array<i64: 64, 64>}, {transform_indices = @transform_2, window_bounds = array<i64: 16384, 128>}]} {
    %get3A = arith.constant 0 : index
    %get3A_0 = arith.constant 0 : index
    %get3A_1 = vector.load %arg1[%get3A, %get3A_0] : memref<64x16384xf32, #tpu.memory_space<vmem>>, vector<64x16384xf32>
    %get3A_2 = arith.constant 0 : index
    %get3A_3 = arith.constant 0 : index
    %get3A_4 = vector.load %arg2[%get3A_2, %get3A_3] : memref<64x64xf32, #tpu.memory_space<vmem>>, vector<64x64xf32>
    %dot_general3A = arith.constant dense<0.000000e+00> : vector<16384x64xf32>
    %dot_general3A_5 = tpu.matmul %get3A_1, %get3A_4, %dot_general3A {dimension_numbers = #tpu.dot_dimension_numbers<[0], [0], [1], [1], [0, 1, 1, 1], [], []>, transpose_lhs_hint = false} : vector<64x16384xf32>, vector<64x64xf32>, vector<16384x64xf32> -> vector<16384x64xf32>
    %swap3A = arith.constant 0 : index
    %swap3A_6 = arith.constant 0 : index
    %swap3A_7 = vector.load %arg3[%swap3A, %swap3A_6] : memref<16384x128xf32, #tpu.memory_space<vmem>>, vector<16384x64xf32>
    tpu.vector_store %arg3[%swap3A, %swap3A_6], %dot_general3A_5 {strides = array<i32>} : memref<16384x128xf32, #tpu.memory_space<vmem>>, vector<16384x64xf32>,
    return
  }
  func.func @transform_0(%arg0: i32) -> (i32, i32) {
    %c0_i32 = arith.constant 0 : i32
    %c0_i32_0 = arith.constant 0 : i32
    return %c0_i32, %arg0 : i32, i32
  }
  func.func @transform_1(%arg0: i32) -> (i32, i32) {
    %c0_i32 = arith.constant 0 : i32
    %c0_i32_0 = arith.constant 0 : i32
    %c0_i32_1 = arith.constant 0 : i32
    return %c0_i32, %c0_i32_0 : i32, i32
  }
  func.func @transform_2(%arg0: i32) -> (i32, i32) {
    %c0_i32 = arith.constant 0 : i32
    %c0_i32_0 = arith.constant 0 : i32
    return %arg0, %c0_i32 : i32, i32
  }
}

</mosaic_0001>

<sc_bundles>
// kernel: kernel.5.cloned.1.call-start
scs
__scs_entry_jumppad:
0x0: {  	(pc) =	sbr.rel $0x88, $3  }
0x1: {  	(tag) =	ssettag $0x0;
	lr =	simm.s32 $0x1  }
0x2: {  	[smem:$0x3F9E] =	sst lr;
	_ =	strace $0xD0000000  }
0x3: {  	_ = 	snop  }
0x4: {  	_ = 	snop  }
0x5: {  	_ = 	snop  }
0x6: {  	_ = 	snop  }
0x7: {  	_ = 	snop  }
__scs_overlays_trampoline_lowered:
0x8: {  	[smem:$0x3FAD] =	sst s0  }
0x9: {  	[smem:$0x3FAE] =	sst s1  }
0xa: {  	[smem:$0x3FAF] =	sst s2  }
0xb: {  	[smem:$0x3FB0] =	sst s3  }
0xc: {  	[smem:$0x3FB1] =	sst s4  }
0xd: {  	[smem:$0x3FB2] =	sst s5  }
0xe: {  	[smem:$0x3FB3] =	sst s6  }
0xf: {  	[smem:$0x3FB4] =	sst s7  }
0x10: {  	[smem:$0x3FB5] =	sst s8  }
0x11: {  	[smem:$0x3FB6] =	sst s9;
	s0 =	simm.s32 @!p0 $0x0  }
0x12: {  	s1 =	sld [smem:$0x3F9C];
	s0 =	simm.s32 @p0 $0x1  }
0x13: {  	[smem:$0x3FB7] =	sst s0;
	s0 =	simm.s32 @!p1 $0x0  }
0x14: {  	s2 =	sld [smem:$0x3F9B];
	s0 =	simm.s32 @p1 $0x1  }
0x15: {  	[smem:$0x3FB8] =	sst s0;
	s0 =	simm.s32 @!p2 $0x0  }
0x16: {  	s3 =	sld [smem:$0x3FDB];
	s0 =	simm.s32 @p2 $0x1  }
0x17: {  	s4 =	simm.s32 $0x1BF5;
	[smem:$0x3FBA] =	sst s0  }
0x18: {  	s0 =	sld [smem:$0x3F9D];
	_ =	swait.ge [sflag:s4], $0x0  }
0x19: {  	s7 =	sld [smem:$0x3F9E]  }
0x1a: {  	s8 =	sadd.s32 $0xFFFFE003, lr  }
0x1b: {  	s9 =	sadd.s32 $0xFFFFFEF7, lr;
	s5 =	simm.s32 $0xFFFFFFFF;
	p2 =	slt.u32 s8, $0xFFFFF086  }
0x1c: {  	p1 =	slt.u32 s9, $0xF7A;
	s5 =	simm.s32 @!p2 $0x0  }
0x1d: {  	s5 =	simm.s32 @p1 $0x1;
	p0 =	seq.s32 s7, s2  }
0x1e: {  	s7 =	smul.u32 @!p0 $0xF7A, s2;
	p2 =	seq.s32 @!p0 s5, $0x0  }
0x1f: {  	s9 =	smul.u32 $0xF7A, s1;
	s8 =	simm.s32 @!p0 $0x1BF5;
	p2 =	por !p2, p0  }
0x20: {  	[sflag:s8] =	ssyncset.s32 @!p0 $0xFFFFF086;
	s6 =	sadd.s32 @!p0 s3, s7;
	s7 =	simm.s32 @!p0 $0x108  }
0x21: {  	s3 =	sadd.s32 s3, s9;
	s6 =	sadd.s32 @!p0 $0x88, s6;
	s7 =	simm.s32 @p2 $0x1082  }
0x22: {  	[simem:s7], [sflag:s8] =	dma.local @!p0 [hbm:s6], $0xF7A  }
0x23: {  	s9 =	sor.u32 $0xD0000000, s2;
	s6 =	simm.s32 $0x108;
	_ =	swait.ge @!p0 [sflag:s8], $0x0  }
0x24: {  	s3 =	sadd.s32 $0x88, s3;
	s6 =	simm.s32 @!p1 $0x1082;
	[sflag:s4] =	ssyncset.s32 $0xFFFFF086  }
0x25: {  	[simem:s6], [sflag:s4] =	dma.local [hbm:s3], $0xF7A  }
0x26: {  	[smem:$0x3F9E] =	sst s1;
	(tag) =	ssettag s2;
	_ =	strace s9  }
0x27: {  	s1 =	sld [smem:$0x3FAE]  }
0x28: {  	s2 =	sld [smem:$0x3FAF]  }
0x29: {  	s4 =	sld [smem:$0x3FB1]  }
0x2a: {  	p0 =	seq.s32 s5, $0x0;
	s5 =	sld [smem:$0x3FB2]  }
0x2b: {  	s6 =	sld [smem:$0x3FB3]  }
0x2c: {  	s7 =	sld [smem:$0x3FB4]  }
0x2d: {  	s3 =	simm.s32 $0x108;
	s8 =	sld [smem:$0x3FB5]  }
0x2e: {  	s3 =	simm.s32 @!p0 $0x1082;
	s9 =	sld [smem:$0x3FB6]  }
0x2f: {  	lr =	sadd.s32 s0, s3;
	s0 =	sld [smem:$0x3FAD]  }
0x30: {  	s3 =	sld [smem:$0x3FB0]  }
0x31: {  	[smem:$0x3FB9] =	sst s10  }
0x32: {  	s10 =	sld [smem:$0x3FB7];
	_ =	sdelay $0x3  }
0x33: {  	p0 =	seq.s32 s10, $0x1;
	s10 =	sld [smem:$0x3FB9];
	_ =	sdelay $0x3  }
0x34: {  	[smem:$0x3FB9] =	sst s10  }
0x35: {  	s10 =	sld [smem:$0x3FB8];
	_ =	sdelay $0x3  }
0x36: {  	p1 =	seq.s32 s10, $0x1;
	s10 =	sld [smem:$0x3FB9];
	_ =	sdelay $0x3  }
0x37: {  	[smem:$0x3FB9] =	sst s10  }
0x38: {  	s10 =	sld [smem:$0x3FBA]  }
0x39: {  	_ = 	snop;
	(pc) =	sbr.ind lr, $3  }
0x3a: {  	_ = 	snop  }
0x3b: {  	_ = 	snop  }
0x3c: {  	p2 =	seq.s32 s10, $0x1;
	s10 =	sld [smem:$0x3FB9]  }
0x3d: {  	_ =	shalt  }
0x3e: {  	_ =	shalt  }
0x3f: {  	_ =	shalt  }
0x40: {  	_ =	shalt  }
0x41: {  	_ =	shalt  }
0x42: {  	_ =	shalt  }
0x43: {  	_ =	shalt  }
0x44: {  	_ =	shalt  }
0x45: {  	_ =	shalt  }
0x46: {  	_ =	shalt  }
0x47: {  	_ =	shalt  }
0x48: {  	_ =	shalt  }
0x49: {  	_ =	shalt  }
0x4a: {  	_ =	shalt  }
0x4b: {  	_ =	shalt  }
0x4c: {  	_ =	shalt  }
0x4d: {  	_ =	shalt  }
0x4e: {  	_ =	shalt  }
0x4f: {  	_ =	shalt  }
0x50: {  	_ =	shalt  }
0x51: {  	_ =	shalt  }
0x52: {  	_ =	shalt  }
0x53: {  	_ =	shalt  }
0x54: {  	_ =	shalt  }
0x55: {  	_ =	shalt  }
0x56: {  	_ =	shalt  }
0x57: {  	_ =	shalt  }
0x58: {  	_ =	shalt  }
0x59: {  	_ =	shalt  }
0x5a: {  	_ =	shalt  }
0x5b: {  	_ =	shalt  }
0x5c: {  	_ =	shalt  }
0x5d: {  	_ =	shalt  }
0x5e: {  	_ =	shalt  }
0x5f: {  	_ =	shalt  }
0x60: {  	_ =	shalt  }
0x61: {  	_ =	shalt  }
0x62: {  	_ =	shalt  }
0x63: {  	_ =	shalt  }
0x64: {  	_ =	shalt  }
0x65: {  	_ =	shalt  }
0x66: {  	_ =	shalt  }
0x67: {  	_ =	shalt  }
0x68: {  	_ =	shalt  }
0x69: {  	_ =	shalt  }
0x6a: {  	_ =	shalt  }
0x6b: {  	_ =	shalt  }
0x6c: {  	_ =	shalt  }
0x6d: {  	_ =	shalt  }
0x6e: {  	_ =	shalt  }
0x6f: {  	_ =	shalt  }
0x70: {  	_ =	shalt  }
0x71: {  	_ =	shalt  }
0x72: {  	_ =	shalt  }
0x73: {  	_ =	shalt  }
0x74: {  	_ =	shalt  }
0x75: {  	_ =	shalt  }
0x76: {  	_ =	shalt  }
0x77: {  	_ =	shalt  }
0x78: {  	_ =	shalt  }
0x79: {  	_ =	shalt  }
0x7a: {  	_ =	shalt  }
0x7b: {  	_ =	shalt  }
0x7c: {  	_ =	shalt  }
0x7d: {  	_ =	shalt  }
0x7e: {  	_ =	shalt  }
0x7f: {  	_ =	shalt  }
0x80: {  	_ =	shalt  }
0x81: {  	_ =	shalt  }
0x82: {  	_ =	shalt  }
0x83: {  	_ =	shalt  }
0x84: {  	_ =	shalt  }
0x85: {  	_ =	shalt  }
0x86: {  	_ =	shalt  }
0x87: {  	_ =	shalt  }
.Lfunc_end0:
.L_simem_size_0:
called_computation_lowered:
.L_overlay_start_0:
0x88: {  	s2 =	sld [smem:$0x3FD9]  }
0x89: {  	s3 =	sld [smem:$0x3FFE];
	_ =	sdelay $0x1  }
0x8a: {  	s1 =	srdreg.scid  }
0x8b: {  	s0 =	sand.u32 $0x1, s1  }
0x8c: {  	s17 =	sshll.u32 s0, $0xA;
	s2 =	sadd.s32 s3, s2  }
0x8d: {  	s2 =	sadd.s32 s2, s17  }
0x8e: {  	[smem:$0x3FC5] =	sst s2  }
0x8f: {  	_ = 	snop  }
0x90: {  	s2 =	sld [smem:$0x3FD0];
	(tm) =	ssettm $0x1  }
0x91: {  	s18 =	sld [smem:$0x3FFB];
	_ =	sdelay $0x3  }
0x92: {  	_ =	strace s18  }
0x93: {  	s3 =	sld [smem:$0x3FFC];
	_ =	sdelay $0x3  }
0x94: {  	_ =	strace s3  }
0x95: {  	s3 =	sld [smem:$0x3FFD];
	_ =	sdelay $0x3  }
0x96: {  	_ =	strace s3  }
0x97: {  	_ =	strace $0x8FFFFFFF  }
0x98: {  	s19 =	sld [smem:$0x3FDB];
	_ =	sdelay $0x1  }
0x99: {  	s4 =	simm.s32 $_scs_section_size  }
0x9a: {  	s5 =	simm.s32 $_size__tile_overlayer_lowered;
	s6 =	simm.s32 $_tile_overlayer_lowered  }
0x9b: {  	s22 =	simm.s32 $0x1BFF;
	s21 =	sshll.u32 s6, $0x1;
	s3 =	sadd.s32 s4, s19  }
0x9c: {  	s7 =	simm.s32 $0x0;
	s20 =	sshll.u32 s5, $0x1;
	s5 =	sadd.s32 s21, s3  }
0x9d: {  	[timem:s7], [sflag:s22] =	dma.local [hbm:s5], s20  }
0x9e: {  	_ =	swait.ge [sflag:s22], s20  }
0x9f: {  	s4 =	ssub.s32 $0x0, s20;
	[sflag:s22] =	ssyncset.done $0x0  }
0xa0: {  	[sflag:s22] =	ssyncadd.s32 s4;
	_ =	sdelay $0x1  }
0xa1: {  	s23 =	simm.s32 $0x1B8B  }
0xa2: {  	_ =	swait.ge [sflag:s23], $0x1  }
0xa3: {  	[sflag:s23] =	ssyncset.done $0x0  }
0xa4: {  	s25 =	simm.s32 $0x1B8E;
	s24 =	sld [smem:$0x3FFE];
	[sflag:s23] =	ssyncadd.s32 $0xFFFFFFFF  }
0xa5: {  	s26 =	simm.s32 $execute0_lowered;
	[smem:$0x3FD2] =	sst s25  }
0xa6: {  	s5 =	sshll.u32 s26, $0x1;
	_ =	strace $0x80000046;
	[dreg:$0x1] =	wrdreg $0xFFFFFFFF  }
0xa7: {  	s28 =	simm.s32 $_size_execute0_lowered;
	s3 =	sadd.s32 s3, s5;
	[dreg:$0x0] =	wrdreg $0x0  }
0xa8: {  	s5 =	sshll.u32 s28, $0x1;
	[dreg:$0x2] =	wrdreg s3  }
0xa9: {  	[dreg:$0x3] =	wrdreg s5  }
0xaa: {  	[dreg:$0x4] =	wrdreg $0xC0  }
0xab: {  	_ =	task [dreg:s7], $0x5FFFF  }
0xac: {  	[dreg:$0x1] =	wrdreg $0xFFFFFFFF  }
0xad: {  	[dreg:$0x0] =	wrdreg $0x60  }
0xae: {  	[dreg:$0x2] =	wrdreg s2  }
0xaf: {  	[dreg:$0x3] =	wrdreg s24  }
0xb0: {  	[dreg:$0x4] =	wrdreg $0x9  }
0xb1: {  	_ =	task.clear_ibuf [dreg:s7], $0x5FFFF;
	_ =	strace $0x90000046  }
0xb2: {  	s29 =	simm.s32 $0x9;
	_ =	strace $0x80000048  }
0xb3: {  	_ =	swait.ge [sflag:s29], $0x1  }
0xb4: {  	[sflag:s29] =	ssyncadd.s32 $0xFFFFFFFF  }
0xb5: {  	_ =	strace $0x90000048  }
0xb6: {  	_ =	sfence  }
0xb7: {  	s30 =	sld [smem:$0x0];
	_ =	sdelay $0x2  }
0xb8: {  	s31 =	sshll.u32 s1, $0xD;
	s1 =	sshrl.u32 s1, $0x2  }
0xb9: {  	s3 =	sand.u32 $0x4000, s31;
	s1 =	sadd.s32 s1, s30  }
0xba: {  	s0 =	sor.u32 s3, s0;
	s1 =	sshll.u32 s1, $0x11  }
0xbb: {  	s0 =	sor.u32 s1, s0  }
0xbc: {  	s0 =	sadd.s32 $0x8F2B, s0  }
0xbd: {  	[sflag:s0] =	ssyncadd.remote.s32 $0x1  }
0xbe: {  	_ =	sfence.sel $0xFFFF  }
0xbf: {  	[dreg:$0x0] =	wrdreg $0xFFFFFFFF;
	(pc) =	sbr.abs _section_cstart, $3  }
0xc0: {  	[dreg:$0x1] =	wrdreg $0xFFFFFFFF  }
0xc1: {  	_ =	task.clear_ibuf [dreg:s7], $0x2FFFF;
	_ =	strace $0x9FFFFFFF  }
0xc2: {  	(tm) =	ssettm $0x7FFFFFFF  }
0xc3: {  	_ =	shalt  }
tec
execute0_lowered:
.L_overlay_start_1:
0x0: {  	(tag) =	ssettag $0x1  }
0x1: {  	s0 =	rddreg [dreg:$0x0]  }
0x2: {  	s2 =	rddreg [dreg:$0x1];
	s1 =	simm.s32 $0x0  }
0x3: {  	s4 =	srdreg.scid;
	s24 =	stileid.u32;
	s17 =	simm.s32 $0xA  }
0x4: {  	s18 =	simm.s32 $0x1;
	s19 =	simm.s32 $0x80;
	s20 =	simm.s32 $0x6400  }
0x5: {  	s21 =	simm.s32 $0xA400;
	s23 =	simm.s32 $0xE400;
	s28 =	simm.s32 $0x3  }
0x6: {  	s29 =	simm.s32 $0x4;
	s30 =	simm.s32 $0x5;
	s31 =	simm.s32 $0x6  }
0x7: {  	s14 =	simm.s32 $0x9;
	s15 =	simm.s32 $0x0;
	[smem:$0x7FF] =	sst s1  }
0x8: {  	s3 =	sadd.s32 $0x600, s2;
	s5 =	sadd.s32 $0x400, s2;
	s4 =	sand.u32 $0x1, s4  }
0x9: {  	s7 =	sshll.u32 s24, $0xA;
	_ =	strace $0x80000047;
	s6 =	ssub.s32 $0x2, s4  }
0xa: {  	[dreg:$0x3] =	wrdreg s5;
	s4 =	sshll.u32 s4, $0x9;
	s25 =	sshrl.u32 s6, $0x1  }
0xb: {  	s5 =	sadd.s32 $0xF42A00, s2;
	s4 =	sor.u32 s4, s7;
	s2 =	ssub.s32 s6, s25  }
0xc: {  	s7 =	sshrl.u32 s4, $0x3;
	s6 =	sshll.u32 s4, $0x7;
	s26 =	sshll.u32 s4, $0x4  }
.Ltmp0:
0xd: {  	s25 =	simm.s32 $0x12400;
	s0 =	sadd.s32 s0, s7;
	(pc) =	sbr.rel .LBB2_1-.Ltmp0, $4  }
0xe: {  	s8 =	sor.u32 $0x4000, s6;
	s9 =	sor.u32 $0x8000, s6;
	s10 =	sor.u32 $0xC000, s6  }
0xf: {  	s2 =	smax.u32 s2, $0x1;
	[dreg:$0x4] =	wrdreg s0;
	s0 =	sadd.s32 s26, s5  }
0x10: {  	[dreg:$0x5] =	wrdreg s2;
	s26 =	simm.s32 $0x2;
	s2 =	simm.s32 $0x8  }
0x11: {  	s12 =	sadd.s32 $0xC40800, s0;
	s13 =	sadd.s32 $0xC41800, s0;
	s0 =	simm.s32 $0x7  }
.LBB2_23:
0x12: {  	_ =	swait.ge [sflag:s30], $0x4000  }
0x13: {  	[sflag:s30] =	ssyncset.done $0x0  }
0x14: {  	[sflag:s30] =	ssyncadd.s32 $0xFFFFC000  }
0x15: {  	[hbm4b:s13+s1] =	stream.linear.scatter [tilespmem:s25], [sflag:$0x9], $0x4000, $0x38;
	[tilespmem:$0x17080] =	vst v63  }
0x16: {  	_ =	swait.ge [sflag:s31], $0x4000  }
0x17: {  	[sflag:s31] =	ssyncset.done $0x0  }
0x18: {  	[sflag:s31] =	ssyncadd.s32 $0xFFFFC000  }
0x19: {  	_ =	swait.ge [sflag:s0], $0x4000  }
0x1a: {  	[sflag:s0] =	ssyncset.done $0x0  }
0x1b: {  	[sflag:s0] =	ssyncadd.s32 $0xFFFFC000  }
0x1c: {  	_ =	swait.ge [sflag:s2], $0x4000  }
0x1d: {  	[sflag:s2] =	ssyncset.done $0x0  }
0x1e: {  	[sflag:s2] =	ssyncadd.s32 $0xFFFFC000  }
0x1f: {  	_ =	swait.ge [sflag:s14], $0x4000  }
0x20: {  	s15 =	sadd.s32 $0x1, s15;
	s4 =	rddreg [dreg:$0x5]  }
0x21: {  	p0 =	sne.s32 s15, s4  }
.Ltmp1:
0x22: {  	_ = 	snop;
	(pc) =	sbr.rel @!p0 .LBB2_24-.Ltmp1, $3  }
0x23: {  	_ =	sdelay $0x1  }
0x24: {  	[sflag:s14] =	ssyncset.done $0x0  }
0x25: {  	[sflag:s14] =	ssyncadd.s32 $0xFFFFC000  }
.LBB2_1:
0x26: {  	s4 =	rddreg [dreg:$0x4];
	s7 =	simm.s32 $0x200;
	s11 =	simm.s32 $0x4000  }
0x27: {  	[tilespmem:s1], [sflag:$0x1] =	stream.strided.gather [hbm4b:s4+s7], $0x6400, s11, s7, $0x38;
	[tilespmem:$0x17080] =	vst v63  }
0x28: {  	s22 =	rddreg [dreg:$0x3];
	s24 =	simm.s32 $0x16400  }
0x29: {  	[tilespmem:s24], [sflag:$0xA] =	stream.linear.gather [hbm4b:s22+s1], $0xC80, $0x38;
	[tilespmem:$0x17080] =	vst v63  }
0x2a: {  	_ =	swait.ge [sflag:s17], $0xC80  }
0x2b: {  	[sflag:s17] =	ssyncset.done $0x0  }
0x2c: {  	[sflag:s17] =	ssyncadd.s32 $0xFFFFF380  }
0x2d: {  	_ =	swait.ge [sflag:s18], $0x6400  }
0x2e: {  	[sflag:s18] =	ssyncset.done $0x0  }
0x2f: {  	[sflag:s18] =	ssyncadd.s32 $0xFFFF9C00  }
0x30: {  	v0 =	vld [tilespmem:$0x16400]  }
0x31: {  	v1 =	vld [tilespmem:$0x16430]  }
0x32: {  	v3 =	vld [tilespmem:$0x16420]  }
0x33: {  	v2 =	vld [tilespmem:$0x16410]  }
0x34: {  	s4 =	simm.s32 $0x6500  }
0x35: {  	[tilespmem:s4+$0xFFFFFF00] =	vst v0  }
0x36: {  	[tilespmem:s4+$0xB0] =	vst v1  }
0x37: {  	[tilespmem:s4+$0xA0] =	vst v3  }
0x38: {  	[tilespmem:s4+$0x90] =	vst v2  }
0x39: {  	[tilespmem:s4+$0x80] =	vst v0  }
0x3a: {  	[tilespmem:s4+$0x30] =	vst v1  }
0x3b: {  	[tilespmem:s4+$0x20] =	vst v3  }
0x3c: {  	[tilespmem:s4+$0x10] =	vst v2  }
0x3d: {  	[tilespmem:s4+$0x0] =	vst v0  }
0x3e: {  	[tilespmem:s4+$0xFFFFFFB0] =	vst v1  }
0x3f: {  	[tilespmem:s4+$0xFFFFFFA0] =	vst v3  }
0x40: {  	[tilespmem:s4+$0xFFFFFF90] =	vst v2  }
0x41: {  	[tilespmem:s4+$0xFFFFFF80] =	vst v0  }
0x42: {  	[tilespmem:s4+$0xFFFFFF30] =	vst v1  }
0x43: {  	s7 =	simm.s32 $0x0;
	[tilespmem:s4+$0xFFFFFF20] =	vst v3  }
.LBB2_2:
0x44: {  	s7 =	sadd.s32 $0x4, s7;
	[tilespmem:s4+$0xFFFFFF10] =	vst v2;
	s4 =	sadd.s32 $0x200, s4  }
0x45: {  	[tilespmem:s4+$0xFFFFFF00] =	vst v0;
	p0 =	slt.u32 s7, $0x7C  }
0x46: {  	[tilespmem:s4+$0xB0] =	vst v1  }
0x47: {  	[tilespmem:s4+$0xA0] =	vst v3  }
0x48: {  	[tilespmem:s4+$0x90] =	vst v2  }
0x49: {  	[tilespmem:s4+$0x80] =	vst v0  }
0x4a: {  	[tilespmem:s4+$0x30] =	vst v1  }
0x4b: {  	[tilespmem:s4+$0x20] =	vst v3  }
0x4c: {  	[tilespmem:s4+$0x10] =	vst v2  }
0x4d: {  	[tilespmem:s4+$0x0] =	vst v0  }
0x4e: {  	[tilespmem:s4+$0xFFFFFFB0] =	vst v1  }
.Ltmp2:
0x4f: {  	[tilespmem:s4+$0xFFFFFFA0] =	vst v3;
	(pc) =	sbr.rel @p0 .LBB2_2-.Ltmp2, $4  }
0x50: {  	[tilespmem:s4+$0xFFFFFF90] =	vst v2  }
0x51: {  	[tilespmem:s4+$0xFFFFFF80] =	vst v0  }
0x52: {  	[tilespmem:s4+$0xFFFFFF30] =	vst v1  }
0x53: {  	[tilespmem:s4+$0xFFFFFF20] =	vst v3  }
0x54: {  	[tilespmem:s4+$0xFFFFFF10] =	vst v2  }
0x55: {  	[tilespmem:s20], [sflag:$0x2] =	stream.indirect.gather.add.f32 [hbm:s3], $0x80, s1, s19, $0xb8;
	[tilespmem:$0x17080] =	vst v63  }
0x56: {  	v0 =	vld [tilespmem:$0x16400]  }
0x57: {  	v1 =	vld [tilespmem:$0x16430]  }
0x58: {  	v3 =	vld [tilespmem:$0x16420]  }
0x59: {  	v2 =	vld [tilespmem:$0x16410]  }
0x5a: {  	s4 =	simm.s32 $0xA500  }
0x5b: {  	[tilespmem:s4+$0xFFFFFF00] =	vst v0  }
0x5c: {  	[tilespmem:s4+$0xB0] =	vst v1  }
0x5d: {  	[tilespmem:s4+$0xA0] =	vst v3  }
0x5e: {  	[tilespmem:s4+$0x90] =	vst v2  }
0x5f: {  	[tilespmem:s4+$0x80] =	vst v0  }
0x60: {  	[tilespmem:s4+$0x30] =	vst v1  }
0x61: {  	[tilespmem:s4+$0x20] =	vst v3  }
0x62: {  	[tilespmem:s4+$0x10] =	vst v2  }
0x63: {  	[tilespmem:s4+$0x0] =	vst v0  }
0x64: {  	[tilespmem:s4+$0xFFFFFFB0] =	vst v1  }
0x65: {  	[tilespmem:s4+$0xFFFFFFA0] =	vst v3  }
0x66: {  	[tilespmem:s4+$0xFFFFFF90] =	vst v2  }
0x67: {  	[tilespmem:s4+$0xFFFFFF80] =	vst v0  }
0x68: {  	[tilespmem:s4+$0xFFFFFF30] =	vst v1  }
0x69: {  	s7 =	simm.s32 $0x0;
	[tilespmem:s4+$0xFFFFFF20] =	vst v3  }
.LBB2_4:
0x6a: {  	s7 =	sadd.s32 $0x4, s7;
	[tilespmem:s4+$0xFFFFFF10] =	vst v2;
	s4 =	sadd.s32 $0x200, s4  }
0x6b: {  	[tilespmem:s4+$0xFFFFFF00] =	vst v0;
	p0 =	slt.u32 s7, $0x7C  }
0x6c: {  	[tilespmem:s4+$0xB0] =	vst v1  }
0x6d: {  	[tilespmem:s4+$0xA0] =	vst v3  }
0x6e: {  	[tilespmem:s4+$0x90] =	vst v2  }
0x6f: {  	[tilespmem:s4+$0x80] =	vst v0  }
0x70: {  	[tilespmem:s4+$0x30] =	vst v1  }
0x71: {  	[tilespmem:s4+$0x20] =	vst v3  }
0x72: {  	[tilespmem:s4+$0x10] =	vst v2  }
0x73: {  	[tilespmem:s4+$0x0] =	vst v0  }
0x74: {  	[tilespmem:s4+$0xFFFFFFB0] =	vst v1  }
.Ltmp3:
0x75: {  	[tilespmem:s4+$0xFFFFFFA0] =	vst v3;
	(pc) =	sbr.rel @p0 .LBB2_4-.Ltmp3, $4  }
0x76: {  	[tilespmem:s4+$0xFFFFFF90] =	vst v2  }
0x77: {  	[tilespmem:s4+$0xFFFFFF80] =	vst v0  }
0x78: {  	[tilespmem:s4+$0xFFFFFF30] =	vst v1  }
0x79: {  	[tilespmem:s4+$0xFFFFFF20] =	vst v3  }
0x7a: {  	[tilespmem:s4+$0xFFFFFF10] =	vst v2  }
0x7b: {  	[tilespmem:s21], [sflag:$0x3] =	stream.indirect.gather.add.f32 [hbm:s3], $0x80, s19, s19, $0xb8;
	[tilespmem:$0x17080] =	vst v63  }
0x7c: {  	v0 =	vld [tilespmem:$0x16400]  }
0x7d: {  	v1 =	vld [tilespmem:$0x16430]  }
0x7e: {  	v3 =	vld [tilespmem:$0x16420]  }
0x7f: {  	v2 =	vld [tilespmem:$0x16410]  }
0x80: {  	s4 =	simm.s32 $0xE500  }
0x81: {  	[tilespmem:s4+$0xFFFFFF00] =	vst v0  }
0x82: {  	[tilespmem:s4+$0xB0] =	vst v1  }
0x83: {  	[tilespmem:s4+$0xA0] =	vst v3  }
0x84: {  	[tilespmem:s4+$0x90] =	vst v2  }
0x85: {  	[tilespmem:s4+$0x80] =	vst v0  }
0x86: {  	[tilespmem:s4+$0x30] =	vst v1  }
0x87: {  	[tilespmem:s4+$0x20] =	vst v3  }
0x88: {  	[tilespmem:s4+$0x10] =	vst v2  }
0x89: {  	[tilespmem:s4+$0x0] =	vst v0  }
0x8a: {  	[tilespmem:s4+$0xFFFFFFB0] =	vst v1  }
0x8b: {  	[tilespmem:s4+$0xFFFFFFA0] =	vst v3  }
0x8c: {  	[tilespmem:s4+$0xFFFFFF90] =	vst v2  }
0x8d: {  	[tilespmem:s4+$0xFFFFFF80] =	vst v0  }
0x8e: {  	[tilespmem:s4+$0xFFFFFF30] =	vst v1  }
0x8f: {  	s7 =	simm.s32 $0x0;
	[tilespmem:s4+$0xFFFFFF20] =	vst v3  }
.LBB2_6:
0x90: {  	s7 =	sadd.s32 $0x4, s7;
	[tilespmem:s4+$0xFFFFFF10] =	vst v2;
	s4 =	sadd.s32 $0x200, s4  }
0x91: {  	[tilespmem:s4+$0xFFFFFF00] =	vst v0;
	p0 =	slt.u32 s7, $0x7C  }
0x92: {  	[tilespmem:s4+$0xB0] =	vst v1  }
0x93: {  	[tilespmem:s4+$0xA0] =	vst v3  }
0x94: {  	[tilespmem:s4+$0x90] =	vst v2  }
0x95: {  	[tilespmem:s4+$0x80] =	vst v0  }
0x96: {  	[tilespmem:s4+$0x30] =	vst v1  }
0x97: {  	[tilespmem:s4+$0x20] =	vst v3  }
0x98: {  	[tilespmem:s4+$0x10] =	vst v2  }
0x99: {  	[tilespmem:s4+$0x0] =	vst v0  }
0x9a: {  	[tilespmem:s4+$0xFFFFFFB0] =	vst v1  }
.Ltmp4:
0x9b: {  	[tilespmem:s4+$0xFFFFFFA0] =	vst v3;
	(pc) =	sbr.rel @p0 .LBB2_6-.Ltmp4, $4  }
0x9c: {  	[tilespmem:s4+$0xFFFFFF90] =	vst v2  }
0x9d: {  	[tilespmem:s4+$0xFFFFFF80] =	vst v0  }
0x9e: {  	[tilespmem:s4+$0xFFFFFF30] =	vst v1  }
0x9f: {  	[tilespmem:s4+$0xFFFFFF20] =	vst v3  }
0xa0: {  	[tilespmem:s4+$0xFFFFFF10] =	vst v2;
	s24 =	simm.s32 $0x100  }
0xa1: {  	[tilespmem:s23], [sflag:$0x4] =	stream.indirect.gather.add.f32 [hbm:s3], $0x80, s24, s19, $0xb8;
	[tilespmem:$0x17080] =	vst v63  }
0xa2: {  	v0 =	vld [tilespmem:$0x16400]  }
0xa3: {  	v1 =	vld [tilespmem:$0x16430]  }
0xa4: {  	v3 =	vld [tilespmem:$0x16420]  }
0xa5: {  	v2 =	vld [tilespmem:$0x16410]  }
0xa6: {  	s4 =	simm.s32 $0x12500  }
0xa7: {  	[tilespmem:s4+$0xFFFFFF00] =	vst v0  }
0xa8: {  	[tilespmem:s4+$0xB0] =	vst v1  }
0xa9: {  	[tilespmem:s4+$0xA0] =	vst v3  }
0xaa: {  	[tilespmem:s4+$0x90] =	vst v2  }
0xab: {  	[tilespmem:s4+$0x80] =	vst v0  }
0xac: {  	[tilespmem:s4+$0x30] =	vst v1  }
0xad: {  	[tilespmem:s4+$0x20] =	vst v3  }
0xae: {  	[tilespmem:s4+$0x10] =	vst v2  }
0xaf: {  	[tilespmem:s4+$0x0] =	vst v0  }
0xb0: {  	[tilespmem:s4+$0xFFFFFFB0] =	vst v1  }
0xb1: {  	[tilespmem:s4+$0xFFFFFFA0] =	vst v3  }
0xb2: {  	[tilespmem:s4+$0xFFFFFF90] =	vst v2  }
0xb3: {  	[tilespmem:s4+$0xFFFFFF80] =	vst v0  }
0xb4: {  	[tilespmem:s4+$0xFFFFFF30] =	vst v1  }
0xb5: {  	s7 =	simm.s32 $0x0;
	[tilespmem:s4+$0xFFFFFF20] =	vst v3  }
.LBB2_8:
0xb6: {  	s7 =	sadd.s32 $0x4, s7;
	[tilespmem:s4+$0xFFFFFF10] =	vst v2;
	s4 =	sadd.s32 $0x200, s4  }
0xb7: {  	[tilespmem:s4+$0xFFFFFF00] =	vst v0;
	p0 =	slt.u32 s7, $0x7C  }
0xb8: {  	[tilespmem:s4+$0xB0] =	vst v1  }
0xb9: {  	[tilespmem:s4+$0xA0] =	vst v3  }
0xba: {  	[tilespmem:s4+$0x90] =	vst v2  }
0xbb: {  	[tilespmem:s4+$0x80] =	vst v0  }
0xbc: {  	[tilespmem:s4+$0x30] =	vst v1  }
0xbd: {  	[tilespmem:s4+$0x20] =	vst v3  }
0xbe: {  	[tilespmem:s4+$0x10] =	vst v2  }
0xbf: {  	[tilespmem:s4+$0x0] =	vst v0  }
0xc0: {  	[tilespmem:s4+$0xFFFFFFB0] =	vst v1  }
.Ltmp5:
0xc1: {  	[tilespmem:s4+$0xFFFFFFA0] =	vst v3;
	(pc) =	sbr.rel @p0 .LBB2_8-.Ltmp5, $4  }
0xc2: {  	[tilespmem:s4+$0xFFFFFF90] =	vst v2  }
0xc3: {  	[tilespmem:s4+$0xFFFFFF80] =	vst v0  }
0xc4: {  	[tilespmem:s4+$0xFFFFFF30] =	vst v1  }
0xc5: {  	[tilespmem:s4+$0xFFFFFF20] =	vst v3  }
0xc6: {  	[tilespmem:s4+$0xFFFFFF10] =	vst v2;
	s24 =	simm.s32 $0x180;
	s16 =	simm.s32 $0x0  }
0xc7: {  	[tilespmem:s25], [sflag:$0x5] =	stream.indirect.gather.add.f32 [hbm:s3], $0x80, s24, s19, $0xb8;
	[tilespmem:$0x17080] =	vst v63  }
.LBB2_10:
0xc8: {  	p0 =	seq.s32 s16, $0x31  }
.Ltmp6:
0xc9: {  	s22 =	sshll.u32 s16, $0x15;
	(pc) =	sbr.rel @!p0 .LBB2_11-.Ltmp6, $4  }
0xca: {  	_ =	swait.ge [sflag:s26], $0x4000;
	s4 =	sor.u32 s6, s22  }
0xcb: {  	[sflag:s26] =	ssyncset.done $0x0;
	s4 =	sshrl.u32 s4, $0x3  }
0xcc: {  	[sflag:s26] =	ssyncadd.s32 $0xFFFFC000;
	s4 =	sadd.s32 s5, s4  }
0xcd: {  	[hbm4b:s4+s1] =	stream.linear.scatter [tilespmem:s20], [sflag:$0x6], $0x4000, $0x38;
	[tilespmem:$0x17080] =	vst v63  }
.Ltmp7:
0xce: {  	(pc) =	sbr.rel .LBB2_17-.Ltmp7, $4  }
0xcf: {  	_ =	swait.ge [sflag:s28], $0x4000  }
0xd0: {  	[sflag:s28] =	ssyncset.done $0x0  }
0xd1: {  	[sflag:s28] =	ssyncadd.s32 $0xFFFFC000  }
0xd2: {  	[hbm4b:s12+s1] =	stream.linear.scatter [tilespmem:s21], [sflag:$0x7], $0x4000, $0x38;
	[tilespmem:$0x17080] =	vst v63  }
.LBB2_11:
0xd3: {  	_ =	swait.ge [sflag:s31], $0x4000;
	s4 =	sadd.s32 $0x1, s16  }
0xd4: {  	[sflag:s31] =	ssyncset.done $0x0;
	s7 =	sshll.u32 s4, $0x6  }
0xd5: {  	[sflag:s31] =	ssyncadd.s32 $0xFFFFC000;
	s24 =	sand.u32 $0x3FFFFFC0, s7  }
0xd6: {  	v0 =	vld [tilespmem:s24+$0x16400]  }
0xd7: {  	v2 =	vld [tilespmem:s24+$0x16430]  }
0xd8: {  	v3 =	vld [tilespmem:s24+$0x16420]  }
0xd9: {  	v1 =	vld [tilespmem:s24+$0x16410]  }
0xda: {  	s7 =	simm.s32 $0x6500  }
0xdb: {  	[tilespmem:s7+$0xFFFFFF00] =	vst v0  }
0xdc: {  	[tilespmem:s7+$0xB0] =	vst v2  }
0xdd: {  	[tilespmem:s7+$0xA0] =	vst v3  }
0xde: {  	[tilespmem:s7+$0x90] =	vst v1  }
0xdf: {  	[tilespmem:s7+$0x80] =	vst v0  }
0xe0: {  	[tilespmem:s7+$0x30] =	vst v2  }
0xe1: {  	[tilespmem:s7+$0x20] =	vst v3  }
0xe2: {  	[tilespmem:s7+$0x10] =	vst v1  }
0xe3: {  	[tilespmem:s7+$0x0] =	vst v0  }
0xe4: {  	[tilespmem:s7+$0xFFFFFFB0] =	vst v2  }
0xe5: {  	[tilespmem:s7+$0xFFFFFFA0] =	vst v3  }
0xe6: {  	[tilespmem:s7+$0xFFFFFF90] =	vst v1  }
0xe7: {  	[tilespmem:s7+$0xFFFFFF80] =	vst v0  }
0xe8: {  	[tilespmem:s7+$0xFFFFFF30] =	vst v2  }
0xe9: {  	s11 =	simm.s32 $0x0;
	[tilespmem:s7+$0xFFFFFF20] =	vst v3  }
.LBB2_12:
0xea: {  	s11 =	sadd.s32 $0x4, s11;
	[tilespmem:s7+$0xFFFFFF10] =	vst v1;
	s7 =	sadd.s32 $0x200, s7  }
0xeb: {  	[tilespmem:s7+$0xFFFFFF00] =	vst v0;
	p1 =	slt.u32 s11, $0x7C  }
0xec: {  	[tilespmem:s7+$0xB0] =	vst v2  }
0xed: {  	[tilespmem:s7+$0xA0] =	vst v3  }
0xee: {  	[tilespmem:s7+$0x90] =	vst v1  }
0xef: {  	[tilespmem:s7+$0x80] =	vst v0  }
0xf0: {  	[tilespmem:s7+$0x30] =	vst v2  }
0xf1: {  	[tilespmem:s7+$0x20] =	vst v3  }
0xf2: {  	[tilespmem:s7+$0x10] =	vst v1  }
0xf3: {  	[tilespmem:s7+$0x0] =	vst v0  }
0xf4: {  	[tilespmem:s7+$0xFFFFFFB0] =	vst v2  }
.Ltmp8:
0xf5: {  	[tilespmem:s7+$0xFFFFFFA0] =	vst v3;
	(pc) =	sbr.rel @p1 .LBB2_12-.Ltmp8, $4  }
0xf6: {  	[tilespmem:s7+$0xFFFFFF90] =	vst v1  }
0xf7: {  	[tilespmem:s7+$0xFFFFFF80] =	vst v0  }
0xf8: {  	[tilespmem:s7+$0xFFFFFF30] =	vst v2  }
0xf9: {  	[tilespmem:s7+$0xFFFFFF20] =	vst v3  }
0xfa: {  	s4 =	sshll.u32 s4, $0x9  }
0xfb: {  	[tilespmem:s7+$0xFFFFFF10] =	vst v1;
	s4 =	sand.u32 $0x3FFFFE00, s4  }
0xfc: {  	[tilespmem:s20], [sflag:$0x2] =	stream.indirect.gather.add.f32 [hbm:s3], $0x80, s4, s19, $0xb8;
	[tilespmem:$0x17080] =	vst v63  }
0xfd: {  	s11 =	sor.u32 s8, s22;
	_ =	swait.ge [sflag:s28], $0x4000  }
0xfe: {  	s7 =	sshrl.u32 s11, $0x3;
	[sflag:s28] =	ssyncset.done $0x0  }
0xff: {  	s7 =	sadd.s32 s5, s7;
	[sflag:s28] =	ssyncadd.s32 $0xFFFFC000  }
0x100: {  	[hbm4b:s7+s1] =	stream.linear.scatter [tilespmem:s21], [sflag:$0x7], $0x4000, $0x38;
	[tilespmem:$0x17080] =	vst v63  }
0x101: {  	_ =	swait.ge [sflag:s0], $0x4000  }
0x102: {  	[sflag:s0] =	ssyncset.done $0x0  }
0x103: {  	[sflag:s0] =	ssyncadd.s32 $0xFFFFC000  }
0x104: {  	v0 =	vld [tilespmem:s24+$0x16400]  }
0x105: {  	v1 =	vld [tilespmem:s24+$0x16430]  }
0x106: {  	v3 =	vld [tilespmem:s24+$0x16420]  }
0x107: {  	v2 =	vld [tilespmem:s24+$0x16410]  }
0x108: {  	s7 =	simm.s32 $0xA500  }
0x109: {  	[tilespmem:s7+$0xFFFFFF00] =	vst v0  }
0x10a: {  	[tilespmem:s7+$0xB0] =	vst v1  }
0x10b: {  	[tilespmem:s7+$0xA0] =	vst v3  }
0x10c: {  	[tilespmem:s7+$0x90] =	vst v2  }
0x10d: {  	[tilespmem:s7+$0x80] =	vst v0  }
0x10e: {  	[tilespmem:s7+$0x30] =	vst v1  }
0x10f: {  	[tilespmem:s7+$0x20] =	vst v3  }
0x110: {  	[tilespmem:s7+$0x10] =	vst v2  }
0x111: {  	[tilespmem:s7+$0x0] =	vst v0  }
0x112: {  	[tilespmem:s7+$0xFFFFFFB0] =	vst v1  }
0x113: {  	[tilespmem:s7+$0xFFFFFFA0] =	vst v3  }
0x114: {  	[tilespmem:s7+$0xFFFFFF90] =	vst v2  }
0x115: {  	[tilespmem:s7+$0xFFFFFF80] =	vst v0  }
0x116: {  	[tilespmem:s7+$0xFFFFFF30] =	vst v1  }
0x117: {  	s11 =	simm.s32 $0x0;
	[tilespmem:s7+$0xFFFFFF20] =	vst v3  }
.LBB2_14:
0x118: {  	s11 =	sadd.s32 $0x4, s11;
	[tilespmem:s7+$0xFFFFFF10] =	vst v2;
	s7 =	sadd.s32 $0x200, s7  }
0x119: {  	[tilespmem:s7+$0xFFFFFF00] =	vst v0;
	p1 =	slt.u32 s11, $0x7C  }
0x11a: {  	[tilespmem:s7+$0xB0] =	vst v1  }
0x11b: {  	[tilespmem:s7+$0xA0] =	vst v3  }
0x11c: {  	[tilespmem:s7+$0x90] =	vst v2  }
0x11d: {  	[tilespmem:s7+$0x80] =	vst v0  }
0x11e: {  	[tilespmem:s7+$0x30] =	vst v1  }
0x11f: {  	[tilespmem:s7+$0x20] =	vst v3  }
0x120: {  	[tilespmem:s7+$0x10] =	vst v2  }
0x121: {  	[tilespmem:s7+$0x0] =	vst v0  }
0x122: {  	[tilespmem:s7+$0xFFFFFFB0] =	vst v1  }
.Ltmp9:
0x123: {  	[tilespmem:s7+$0xFFFFFFA0] =	vst v3;
	(pc) =	sbr.rel @p1 .LBB2_14-.Ltmp9, $4  }
0x124: {  	[tilespmem:s7+$0xFFFFFF90] =	vst v2  }
0x125: {  	[tilespmem:s7+$0xFFFFFF80] =	vst v0  }
0x126: {  	[tilespmem:s7+$0xFFFFFF30] =	vst v1  }
0x127: {  	[tilespmem:s7+$0xFFFFFF20] =	vst v3  }
0x128: {  	[tilespmem:s7+$0xFFFFFF10] =	vst v2;
	s4 =	sadd.s32 $0x80, s4  }
0x129: {  	[tilespmem:s21], [sflag:$0x3] =	stream.indirect.gather.add.f32 [hbm:s3], $0x80, s4, s19, $0xb8;
	[tilespmem:$0x17080] =	vst v63  }
.LBB2_17:
.Ltmp10:
0x12a: {  	(pc) =	sbr.rel @p0 .LBB2_23-.Ltmp10, $4  }
0x12b: {  	_ =	swait.ge [sflag:s29], $0x4000;
	s4 =	sor.u32 s9, s22  }
0x12c: {  	[sflag:s29] =	ssyncset.done $0x0;
	s4 =	sshrl.u32 s4, $0x3  }
0x12d: {  	[sflag:s29] =	ssyncadd.s32 $0xFFFFC000;
	s4 =	sadd.s32 s5, s4  }
0x12e: {  	[hbm4b:s4+s1] =	stream.linear.scatter [tilespmem:s23], [sflag:$0x8], $0x4000, $0x38;
	[tilespmem:$0x17080] =	vst v63  }
0x12f: {  	_ =	swait.ge [sflag:s2], $0x4000;
	s16 =	sadd.s32 $0x1, s16  }
0x130: {  	[sflag:s2] =	ssyncset.done $0x0;
	s4 =	sshll.u32 s16, $0x6  }
0x131: {  	[sflag:s2] =	ssyncadd.s32 $0xFFFFC000;
	s24 =	sand.u32 $0x3FFFFFC0, s4  }
0x132: {  	v1 =	vld [tilespmem:s24+$0x16400]  }
0x133: {  	v2 =	vld [tilespmem:s24+$0x16430]  }
0x134: {  	v3 =	vld [tilespmem:s24+$0x16420]  }
0x135: {  	v0 =	vld [tilespmem:s24+$0x16410]  }
0x136: {  	s7 =	simm.s32 $0xE500  }
0x137: {  	[tilespmem:s7+$0xFFFFFF00] =	vst v1  }
0x138: {  	[tilespmem:s7+$0xB0] =	vst v2  }
0x139: {  	[tilespmem:s7+$0xA0] =	vst v3  }
0x13a: {  	[tilespmem:s7+$0x90] =	vst v0  }
0x13b: {  	[tilespmem:s7+$0x80] =	vst v1  }
0x13c: {  	[tilespmem:s7+$0x30] =	vst v2  }
0x13d: {  	[tilespmem:s7+$0x20] =	vst v3  }
0x13e: {  	[tilespmem:s7+$0x10] =	vst v0  }
0x13f: {  	[tilespmem:s7+$0x0] =	vst v1  }
0x140: {  	[tilespmem:s7+$0xFFFFFFB0] =	vst v2  }
0x141: {  	[tilespmem:s7+$0xFFFFFFA0] =	vst v3  }
0x142: {  	[tilespmem:s7+$0xFFFFFF90] =	vst v0  }
0x143: {  	[tilespmem:s7+$0xFFFFFF80] =	vst v1  }
0x144: {  	[tilespmem:s7+$0xFFFFFF30] =	vst v2  }
0x145: {  	s4 =	simm.s32 $0x0;
	[tilespmem:s7+$0xFFFFFF20] =	vst v3  }
.LBB2_19:
0x146: {  	s4 =	sadd.s32 $0x4, s4;
	[tilespmem:s7+$0xFFFFFF10] =	vst v0;
	s7 =	sadd.s32 $0x200, s7  }
0x147: {  	[tilespmem:s7+$0xFFFFFF00] =	vst v1;
	p0 =	slt.u32 s4, $0x7C  }
0x148: {  	[tilespmem:s7+$0xB0] =	vst v2  }
0x149: {  	[tilespmem:s7+$0xA0] =	vst v3  }
0x14a: {  	[tilespmem:s7+$0x90] =	vst v0  }
0x14b: {  	[tilespmem:s7+$0x80] =	vst v1  }
0x14c: {  	[tilespmem:s7+$0x30] =	vst v2  }
0x14d: {  	[tilespmem:s7+$0x20] =	vst v3  }
0x14e: {  	[tilespmem:s7+$0x10] =	vst v0  }
0x14f: {  	[tilespmem:s7+$0x0] =	vst v1  }
0x150: {  	[tilespmem:s7+$0xFFFFFFB0] =	vst v2  }
.Ltmp11:
0x151: {  	[tilespmem:s7+$0xFFFFFFA0] =	vst v3;
	(pc) =	sbr.rel @p0 .LBB2_19-.Ltmp11, $4  }
0x152: {  	[tilespmem:s7+$0xFFFFFF90] =	vst v0  }
0x153: {  	[tilespmem:s7+$0xFFFFFF80] =	vst v1  }
0x154: {  	[tilespmem:s7+$0xFFFFFF30] =	vst v2  }
0x155: {  	[tilespmem:s7+$0xFFFFFF20] =	vst v3  }
0x156: {  	s4 =	sshll.u32 s16, $0x9  }
0x157: {  	s4 =	sand.u32 $0x3FFFFE00, s4  }
0x158: {  	[tilespmem:s7+$0xFFFFFF10] =	vst v0;
	s11 =	sor.u32 $0x100, s4  }
0x159: {  	[tilespmem:s23], [sflag:$0x4] =	stream.indirect.gather.add.f32 [hbm:s3], $0x80, s11, s19, $0xb8;
	[tilespmem:$0x17080] =	vst v63  }
0x15a: {  	s22 =	sor.u32 s10, s22;
	_ =	swait.ge [sflag:s30], $0x4000  }
0x15b: {  	s7 =	sshrl.u32 s22, $0x3;
	[sflag:s30] =	ssyncset.done $0x0  }
0x15c: {  	s7 =	sadd.s32 s5, s7;
	[sflag:s30] =	ssyncadd.s32 $0xFFFFC000  }
0x15d: {  	[hbm4b:s7+s1] =	stream.linear.scatter [tilespmem:s25], [sflag:$0x9], $0x4000, $0x38;
	[tilespmem:$0x17080] =	vst v63  }
0x15e: {  	_ =	swait.ge [sflag:s14], $0x4000  }
0x15f: {  	[sflag:s14] =	ssyncset.done $0x0  }
0x160: {  	[sflag:s14] =	ssyncadd.s32 $0xFFFFC000  }
0x161: {  	v0 =	vld [tilespmem:s24+$0x16400]  }
0x162: {  	v1 =	vld [tilespmem:s24+$0x16430]  }
0x163: {  	v3 =	vld [tilespmem:s24+$0x16420]  }
0x164: {  	v2 =	vld [tilespmem:s24+$0x16410]  }
0x165: {  	s7 =	simm.s32 $0x12500  }
0x166: {  	[tilespmem:s7+$0xFFFFFF00] =	vst v0  }
0x167: {  	[tilespmem:s7+$0xB0] =	vst v1  }
0x168: {  	[tilespmem:s7+$0xA0] =	vst v3  }
0x169: {  	[tilespmem:s7+$0x90] =	vst v2  }
0x16a: {  	[tilespmem:s7+$0x80] =	vst v0  }
0x16b: {  	[tilespmem:s7+$0x30] =	vst v1  }
0x16c: {  	[tilespmem:s7+$0x20] =	vst v3  }
0x16d: {  	[tilespmem:s7+$0x10] =	vst v2  }
0x16e: {  	[tilespmem:s7+$0x0] =	vst v0  }
0x16f: {  	[tilespmem:s7+$0xFFFFFFB0] =	vst v1  }
0x170: {  	[tilespmem:s7+$0xFFFFFFA0] =	vst v3  }
0x171: {  	[tilespmem:s7+$0xFFFFFF90] =	vst v2  }
0x172: {  	[tilespmem:s7+$0xFFFFFF80] =	vst v0  }
0x173: {  	[tilespmem:s7+$0xFFFFFF30] =	vst v1  }
0x174: {  	s11 =	simm.s32 $0x0;
	[tilespmem:s7+$0xFFFFFF20] =	vst v3  }
.LBB2_21:
0x175: {  	s11 =	sadd.s32 $0x4, s11;
	[tilespmem:s7+$0xFFFFFF10] =	vst v2;
	s7 =	sadd.s32 $0x200, s7  }
0x176: {  	[tilespmem:s7+$0xFFFFFF00] =	vst v0;
	p0 =	slt.u32 s11, $0x7C  }
0x177: {  	[tilespmem:s7+$0xB0] =	vst v1  }
0x178: {  	[tilespmem:s7+$0xA0] =	vst v3  }
0x179: {  	[tilespmem:s7+$0x90] =	vst v2  }
0x17a: {  	[tilespmem:s7+$0x80] =	vst v0  }
0x17b: {  	[tilespmem:s7+$0x30] =	vst v1  }
0x17c: {  	[tilespmem:s7+$0x20] =	vst v3  }
0x17d: {  	[tilespmem:s7+$0x10] =	vst v2  }
0x17e: {  	[tilespmem:s7+$0x0] =	vst v0  }
0x17f: {  	[tilespmem:s7+$0xFFFFFFB0] =	vst v1  }
.Ltmp12:
0x180: {  	[tilespmem:s7+$0xFFFFFFA0] =	vst v3;
	(pc) =	sbr.rel @p0 .LBB2_21-.Ltmp12, $4  }
0x181: {  	[tilespmem:s7+$0xFFFFFF90] =	vst v2  }
0x182: {  	[tilespmem:s7+$0xFFFFFF80] =	vst v0  }
0x183: {  	[tilespmem:s7+$0xFFFFFF30] =	vst v1  }
0x184: {  	[tilespmem:s7+$0xFFFFFF20] =	vst v3  }
.Ltmp13:
0x185: {  	(pc) =	sbr.rel .LBB2_10-.Ltmp13, $3  }
0x186: {  	_ =	sdelay $0x1  }
0x187: {  	[tilespmem:s7+$0xFFFFFF10] =	vst v2;
	s4 =	sadd.s32 $0x180, s4  }
0x188: {  	[tilespmem:s25], [sflag:$0x5] =	stream.indirect.gather.add.f32 [hbm:s3], $0x80, s4, s19, $0xb8;
	[tilespmem:$0x17080] =	vst v63  }
.LBB2_24:
0x189: {  	_ =	sfence.sel $0x180000  }
0x18a: {  	[bflag:$0x0] =	sbarrier.arrive $0xFFFF  }
0x18b: {  	_ =	strace $0x90000047  }
0x18c: {  	s0 =	stileid.u32;
	[bflag:$0x2] =	sbarrier.arrive $0xFFFF  }
0x18d: {  	p0 =	sne.s32 s0, $0x0;
	s0 =	rddreg [dreg:$0x2]  }
0x18e: {  	s0 =	sadd.s32 @!p0 $0x100000, s0  }
0x18f: {  	[sflag:s0] =	ssyncadd.tile.s32 @!p0 $0x1;
	_ =	shalt  }
.Lfunc_end2:
_tile_overlayer_lowered:
.L_overlay_start_2:
0x190: {  	(tag) =	ssettag $0x2  }
0x191: {  	s0 =	rddreg [dreg:$0x0];
	s2 =	stileid.u32  }
0x192: {  	s1 =	rddreg [dreg:$0x1];
	p0 =	sne.s32 s2, $0x0  }
0x193: {  	s3 =	rddreg [dreg:$0x2];
	[bflag:$0x3] =	sbarrier.arrive $0xFFFF;
	s2 =	simm.s32 @!p0 $0x1C0A  }
0x194: {  	[timem:s3], [sflag:s2] =	dma.local @!p0 [hbm:s0], s1  }
0x195: {  	s0 =	simm.s32 @!p0 $0xA  }
0x196: {  	_ =	swait.ge @!p0 [sflag:s0], s1  }
0x197: {  	s1 =	ssub.s32 @!p0 $0x0, s1;
	[sflag:s0] =	ssyncset.done @!p0 $0x0  }
0x198: {  	[sflag:s0] =	ssyncadd.s32 @!p0 s1  }
0x199: {  	[bflag:$0x3] =	sbarrier.arrive $0xFFFF  }
0x19a: {  	_ =	shalt  }

</sc_bundles>
